<compile_context>
chip_gen: v7x
topology: tpu7x:2x2x1
jax: 0.10.2.dev20260603
libtpu: 0.0.44.dev20260713+nightly
codegen_flags: <defaults>
</compile_context>

<pallas_src>
import functools

import jax
import jax.numpy as jnp
from jax import lax
from jax.experimental import pallas as pl
from jax.experimental.pallas import tpu as pltpu
from jax.experimental.pallas import tpu_sc as plsc

_N = 320000
_D = 128
_S = 10000

_NSUB = 16
_ROWS_PER_SUB = _N // _NSUB
_R = 80
_TCH = _ROWS_PER_SUB // _R
_ZR = 80
_ZCHUNKS = _S // _ZR
_CD = _D // 2


def _sc_body(x_hbm, gi_hbm, t_hbm, out_hbm,
             x_a, x_b, vals_a, vals_b, idx_a, idx_b, idx_sa, idx_sb,
             zb_v, ob_v, t_v,
             sem_xa, sem_xb, sem_ia, sem_ib, sem_sa, sem_sb,
             acc_sh):
    c = lax.axis_index("c")
    s = lax.axis_index("s")
    col0 = c * _CD
    base = s * _ROWS_PER_SUB

    pltpu.sync_copy(t_hbm, t_v)
    tv = t_v[...]

    @plsc.parallel_loop(0, _ZR, unroll=4)
    def zero_row(r):
        for k in range(_D // 16):
            zb_v[r, pl.ds(k * 16, 16)] = jnp.zeros((16,), jnp.float32)

    zlo = (s * _ZCHUNKS) // _NSUB
    zhi = ((s + 1) * _ZCHUNKS) // _NSUB

    def zero_chunk(j, carry):
        pltpu.sync_copy(zb_v, acc_sh.at[pl.ds(j * _ZR, _ZR)])
        return carry

    lax.fori_loop(zlo, zhi, zero_chunk, 0)
    plsc.subcore_barrier()

    def issue_in(t, x_buf, idx_buf, sem_x, sem_i):
        row0 = base + t * _R
        pltpu.async_copy(gi_hbm.at[pl.ds(row0, _R)], idx_buf, sem_i)
        pltpu.async_copy(x_hbm.at[pl.ds(row0, _R), pl.ds(col0, _CD)],
                         x_buf, sem_x)

    def wait_in(x_buf, idx_buf, sem_x, sem_i):
        pltpu.make_async_copy(gi_hbm.at[pl.ds(0, _R)], idx_buf, sem_i).wait()
        pltpu.make_async_copy(x_hbm.at[pl.ds(0, _R), pl.ds(0, _CD)],
                              x_buf, sem_x).wait()

    def compute(x_buf, vals_buf):
        @plsc.parallel_loop(0, _R, unroll=4)
        def row_body(r):
            xs = [x_buf[r, pl.ds(k * 16, 16)] for k in range(_CD // 16)]
            es = [jnp.exp(xv * tv) for xv in xs]
            for k in range(_CD // 16):
                vals_buf[r, pl.ds(_CD + k * 16, 16)] = es[k]
            for k in range(_CD // 16):
                vals_buf[r, pl.ds(k * 16, 16)] = xs[k] * es[k]

    def issue_scatter(vals_buf, idx_buf, idx_s_buf, sem_s):
        for k in range(_R // 16):
            idx_s_buf[pl.ds(k * 16, 16)] = idx_buf[pl.ds(k * 16, 16)]
        pltpu.async_copy(vals_buf, acc_sh.at[idx_s_buf], sem_s, add=True)

    def wait_scatter(vals_buf, idx_s_buf, sem_s):
        pltpu.make_async_copy(vals_buf, acc_sh.at[idx_s_buf], sem_s).wait()

    issue_in(0, x_a, idx_a, sem_xa, sem_ia)

    @pl.loop(0, _TCH, step=2)
    def chunk_pair(t):
        issue_in(t + 1, x_b, idx_b, sem_xb, sem_ib)
        wait_in(x_a, idx_a, sem_xa, sem_ia)

        @pl.when(t >= 2)
        def _():
            wait_scatter(vals_a, idx_sa, sem_sa)

        compute(x_a, vals_a)
        issue_scatter(vals_a, idx_a, idx_sa, sem_sa)

        @pl.when(t < _TCH - 2)
        def _():
            issue_in(t + 2, x_a, idx_a, sem_xa, sem_ia)

        wait_in(x_b, idx_b, sem_xb, sem_ib)

        @pl.when(t >= 2)
        def _():
            wait_scatter(vals_b, idx_sb, sem_sb)

        compute(x_b, vals_b)
        issue_scatter(vals_b, idx_b, idx_sb, sem_sb)

    wait_scatter(vals_a, idx_sa, sem_sa)
    wait_scatter(vals_b, idx_sb, sem_sb)
    plsc.subcore_barrier()

    def div_chunk(j, carry):
        r0 = j * _ZR
        pltpu.sync_copy(acc_sh.at[pl.ds(r0, _ZR)], zb_v)

        @plsc.parallel_loop(0, _ZR, unroll=4)
        def div_row(r):
            nus = [zb_v[r, pl.ds(k * 16, 16)] for k in range(_CD // 16)]
            des = [zb_v[r, pl.ds(_CD + k * 16, 16)] for k in range(_CD // 16)]
            qs = [jnp.where(de != 0.0, nu / de, jnp.zeros((16,), jnp.float32))
                  for nu, de in zip(nus, des)]
            for k in range(_CD // 16):
                ob_v[r, pl.ds(k * 16, 16)] = qs[k]
        pltpu.sync_copy(ob_v, out_hbm.at[pl.ds(r0, _ZR), pl.ds(col0, _CD)])
        return carry

    lax.fori_loop(zlo, zhi, div_chunk, 0)


_sc_pool = functools.partial(
    pl.kernel,
    mesh=plsc.VectorSubcoreMesh(core_axis_name="c", subcore_axis_name="s"),
    out_type=jax.ShapeDtypeStruct((_S, _D), jnp.float32),
    compiler_params=pltpu.CompilerParams(use_tc_tiling_on_sc=False),
    scratch_types=[
        pltpu.VMEM((_R, _CD), jnp.float32),
        pltpu.VMEM((_R, _CD), jnp.float32),
        pltpu.VMEM((_R, _D), jnp.float32),
        pltpu.VMEM((_R, _D), jnp.float32),
        pltpu.VMEM((_R,), jnp.int32),
        pltpu.VMEM((_R,), jnp.int32),
        pltpu.VMEM((_R,), jnp.int32),
        pltpu.VMEM((_R,), jnp.int32),
        pltpu.VMEM((_ZR, _D), jnp.float32),
        pltpu.VMEM((_ZR, _CD), jnp.float32),
        pltpu.VMEM((16,), jnp.float32),
        pltpu.SemaphoreType.DMA,
        pltpu.SemaphoreType.DMA,
        pltpu.SemaphoreType.DMA,
        pltpu.SemaphoreType.DMA,
        pltpu.SemaphoreType.DMA,
        pltpu.SemaphoreType.DMA,
        pltpu.VMEM_SHARED((_S, _D), jnp.float32),
    ],
)(_sc_body)


def kernel(x, dim, group_indices, temperature):
    gi = group_indices.astype(jnp.int32)
    t16 = jnp.broadcast_to(
        temperature.reshape(-1)[:1].astype(jnp.float32), (16,))
    pooled = _sc_pool(x, gi, t16)
    return jnp.where(dim == 0, pooled, jnp.zeros_like(pooled))

# --- scband reference (transcript-rebuilt; emitter-appended) ---
"""Pipeline reference for scband-parametric-softmax-pool-27204322853185 (READ-ONLY COPY).

The authoritative reference and input builder live on the scoring server;
editing this copy changes nothing except your own understanding.
"""

import jax, jax.numpy as jnp
import numpy as np

N = 320000
D = 128
S = 10000


def setup_inputs(seed: int = 0) -> dict:
    key = jax.random.key(seed)
    k1, k2 = jax.random.split(key)
    x = jax.random.normal(k1, (N, D), dtype=jnp.float32)
    group_indices = jnp.sort(jax.random.randint(k2, (N,), 0, S))
    temperature = jnp.ones((1,), dtype=jnp.float32)  # temperature_init=1
    return {"x": x, "dim": 0, "group_indices": group_indices, "temperature": temperature}


def reference(x, dim, group_indices, temperature):
    # ParametricSoftmaxPool.forward with group_indices path (dim==0, mask=None)
    h = temperature * x                                   # [N, D]
    h_exp = jnp.exp(h)                                    # [N, D]
    # segment_coo(h_exp, group_indices, reduce='sum') -> per-segment denominator
    h_exp_sum = jax.ops.segment_sum(h_exp, group_indices, num_segments=S)  # [S, D]
    # torch.gather(h_exp_sum, dim=0, index=group_indices_rep) -> row gather
    gathered = jnp.take(h_exp_sum, group_indices, axis=0)  # [N, D]
    softmax_vals = h_exp / gathered                        # [N, D]
    # segment_coo(x * softmax_vals, group_indices, reduce='sum')
    pooled = jax.ops.segment_sum(x * softmax_vals, group_indices, num_segments=S)  # [S, D]
    return jnp.where(dim == 0, pooled, jnp.zeros_like(pooled))

if __name__ == "__main__":
    import jax
    _d = setup_inputs()
    print(jax.jit(kernel)(*tuple(_d.values())))

</pallas_src>

<mosaic_0001>
#map = affine_map<(d0, d1) -> (0, 0)>
#map1 = affine_map<(d0, d1) -> (0)>
module attributes {stable_mosaic.version = 14 : i64} {
  func.func @_sc_body(%arg0: i32, %arg1: i32, %arg2: memref<320000x128xf32, #tpu.memory_space<hbm>>, %arg3: memref<320000xi32, #tpu.memory_space<hbm>>, %arg4: memref<16xf32, #tpu.memory_space<hbm>>, %arg5: memref<10000x128xf32, #tpu.memory_space<hbm>>, %arg6: memref<80x64xf32, #tpu.memory_space<vmem>>, %arg7: memref<80x64xf32, #tpu.memory_space<vmem>>, %arg8: memref<80x128xf32, #tpu.memory_space<vmem>>, %arg9: memref<80x128xf32, #tpu.memory_space<vmem>>, %arg10: memref<80xi32, #tpu.memory_space<vmem>>, %arg11: memref<80xi32, #tpu.memory_space<vmem>>, %arg12: memref<80xi32, #tpu.memory_space<vmem>>, %arg13: memref<80xi32, #tpu.memory_space<vmem>>, %arg14: memref<80x128xf32, #tpu.memory_space<vmem>>, %arg15: memref<80x64xf32, #tpu.memory_space<vmem>>, %arg16: memref<16xf32, #tpu.memory_space<vmem>>, %arg17: memref<!tpu.dma_semaphore, #tpu.memory_space<semaphore_mem>>, %arg18: memref<!tpu.dma_semaphore, #tpu.memory_space<semaphore_mem>>, %arg19: memref<!tpu.dma_semaphore, #tpu.memory_space<semaphore_mem>>, %arg20: memref<!tpu.dma_semaphore, #tpu.memory_space<semaphore_mem>>, %arg21: memref<!tpu.dma_semaphore, #tpu.memory_space<semaphore_mem>>, %arg22: memref<!tpu.dma_semaphore, #tpu.memory_space<semaphore_mem>>, %arg23: memref<10000x128xf32, #tpu.memory_space<vmem_shared>>) attributes {dimension_semantics = [#tpu.dimension_semantics<core_parallel>, #tpu.dimension_semantics<subcore_parallel>], iteration_bounds = array<i64: 2, 16>, scalar_prefetch = 0 : i64, scratch_operands = 18 : i64, tpu.core_type = #tpu.core_type<sc_vector_subcore>, window_params = [{transform_indices = #map}, {transform_indices = #map1}, {transform_indices = #map1}, {transform_indices = #map}]} {
    %mul3A = arith.constant 64 : i32
    %mul3A_0 = arith.muli %arg0, %mul3A : i32
    %mul3A_1 = arith.constant 20000 : i32
    %mul3A_2 = arith.muli %arg1, %mul3A_1 : i32
    "tpu.region"() ({
      %run_scoped3A = tpu.sem_alloc : memref<!tpu.dma_semaphore, #tpu.memory_space<semaphore_mem>>
      tpu.enqueue_dma source(%arg4 : memref<16xf32, #tpu.memory_space<hbm>>) target(%arg16 : memref<16xf32, #tpu.memory_space<vmem>>) target_semaphore(%run_scoped3A : memref<!tpu.dma_semaphore, #tpu.memory_space<semaphore_mem>>)
      tpu.wait_dma2 semaphore(%run_scoped3A : memref<!tpu.dma_semaphore, #tpu.memory_space<semaphore_mem>>) src(%arg4 : memref<16xf32, #tpu.memory_space<hbm>>) dst(%arg16 : memref<16xf32, #tpu.memory_space<vmem>>)
      tpu.yield
    }) : () -> ()
    %get3A = arith.constant 0 : index
    %get3A_3 = tpu.vector_load %arg16[%get3A] {strides = array<i32>} : memref<16xf32, #tpu.memory_space<vmem>>, vector<16xf32>,
    %get3A_4 = vector.shape_cast %get3A_3 : vector<16xf32> to vector<16xf32>
    %parallel_loop3A = arith.constant 0 : i32
    %parallel_loop3A_5 = arith.constant 80 : i32
    %parallel_loop3A_6 = arith.constant 1 : i32
    scf.for %parallel_loop3A_84 = %parallel_loop3A to %parallel_loop3A_5 step %parallel_loop3A_6  : i32 {
      %parallel_loop3A_85 = arith.constant 0.000000e+00 : f32
      %parallel_loop3A_86 = vector.broadcast %parallel_loop3A_85 : f32 to vector<16xf32>
      %parallel_loop3A_87 = arith.index_cast %parallel_loop3A_84 : i32 to index
      %parallel_loop3A_88 = arith.constant 0 : index
      %parallel_loop3A_89 = tpu.vector_load %arg14[%parallel_loop3A_87, %parallel_loop3A_88] {strides = array<i32>} : memref<80x128xf32, #tpu.memory_space<vmem>>, vector<1x16xf32>,
      %parallel_loop3A_90 = vector.shape_cast %parallel_loop3A_89 : vector<1x16xf32> to vector<16xf32>
      %parallel_loop3A_91 = vector.shape_cast %parallel_loop3A_86 : vector<16xf32> to vector<1x16xf32>
      tpu.vector_store %arg14[%parallel_loop3A_87, %parallel_loop3A_88], %parallel_loop3A_91 {strides = array<i32>} : memref<80x128xf32, #tpu.memory_space<vmem>>, vector<1x16xf32>,
      %parallel_loop3A_92 = arith.constant 0.000000e+00 : f32
      %parallel_loop3A_93 = vector.broadcast %parallel_loop3A_92 : f32 to vector<16xf32>
      %parallel_loop3A_94 = arith.index_cast %parallel_loop3A_84 : i32 to index
      %parallel_loop3A_95 = arith.constant 16 : index
      %parallel_loop3A_96 = tpu.vector_load %arg14[%parallel_loop3A_94, %parallel_loop3A_95] {strides = array<i32>} : memref<80x128xf32, #tpu.memory_space<vmem>>, vector<1x16xf32>,
      %parallel_loop3A_97 = vector.shape_cast %parallel_loop3A_96 : vector<1x16xf32> to vector<16xf32>
      %parallel_loop3A_98 = vector.shape_cast %parallel_loop3A_93 : vector<16xf32> to vector<1x16xf32>
      tpu.vector_store %arg14[%parallel_loop3A_94, %parallel_loop3A_95], %parallel_loop3A_98 {strides = array<i32>} : memref<80x128xf32, #tpu.memory_space<vmem>>, vector<1x16xf32>,
      %parallel_loop3A_99 = arith.constant 0.000000e+00 : f32
      %parallel_loop3A_100 = vector.broadcast %parallel_loop3A_99 : f32 to vector<16xf32>
      %parallel_loop3A_101 = arith.index_cast %parallel_loop3A_84 : i32 to index
      %parallel_loop3A_102 = arith.constant 32 : index
      %parallel_loop3A_103 = tpu.vector_load %arg14[%parallel_loop3A_101, %parallel_loop3A_102] {strides = array<i32>} : memref<80x128xf32, #tpu.memory_space<vmem>>, vector<1x16xf32>,
      %parallel_loop3A_104 = vector.shape_cast %parallel_loop3A_103 : vector<1x16xf32> to vector<16xf32>
      %parallel_loop3A_105 = vector.shape_cast %parallel_loop3A_100 : vector<16xf32> to vector<1x16xf32>
      tpu.vector_store %arg14[%parallel_loop3A_101, %parallel_loop3A_102], %parallel_loop3A_105 {strides = array<i32>} : memref<80x128xf32, #tpu.memory_space<vmem>>, vector<1x16xf32>,
      %parallel_loop3A_106 = arith.constant 0.000000e+00 : f32
      %parallel_loop3A_107 = vector.broadcast %parallel_loop3A_106 : f32 to vector<16xf32>
      %parallel_loop3A_108 = arith.index_cast %parallel_loop3A_84 : i32 to index
      %parallel_loop3A_109 = arith.constant 48 : index
      %parallel_loop3A_110 = tpu.vector_load %arg14[%parallel_loop3A_108, %parallel_loop3A_109] {strides = array<i32>} : memref<80x128xf32, #tpu.memory_space<vmem>>, vector<1x16xf32>,
      %parallel_loop3A_111 = vector.shape_cast %parallel_loop3A_110 : vector<1x16xf32> to vector<16xf32>
      %parallel_loop3A_112 = vector.shape_cast %parallel_loop3A_107 : vector<16xf32> to vector<1x16xf32>
      tpu.vector_store %arg14[%parallel_loop3A_108, %parallel_loop3A_109], %parallel_loop3A_112 {strides = array<i32>} : memref<80x128xf32, #tpu.memory_space<vmem>>, vector<1x16xf32>,
      %parallel_loop3A_113 = arith.constant 0.000000e+00 : f32
      %parallel_loop3A_114 = vector.broadcast %parallel_loop3A_113 : f32 to vector<16xf32>
      %parallel_loop3A_115 = arith.index_cast %parallel_loop3A_84 : i32 to index
      %parallel_loop3A_116 = arith.constant 64 : index
      %parallel_loop3A_117 = tpu.vector_load %arg14[%parallel_loop3A_115, %parallel_loop3A_116] {strides = array<i32>} : memref<80x128xf32, #tpu.memory_space<vmem>>, vector<1x16xf32>,
      %parallel_loop3A_118 = vector.shape_cast %parallel_loop3A_117 : vector<1x16xf32> to vector<16xf32>
      %parallel_loop3A_119 = vector.shape_cast %parallel_loop3A_114 : vector<16xf32> to vector<1x16xf32>
      tpu.vector_store %arg14[%parallel_loop3A_115, %parallel_loop3A_116], %parallel_loop3A_119 {strides = array<i32>} : memref<80x128xf32, #tpu.memory_space<vmem>>, vector<1x16xf32>,
      %parallel_loop3A_120 = arith.constant 0.000000e+00 : f32
      %parallel_loop3A_121 = vector.broadcast %parallel_loop3A_120 : f32 to vector<16xf32>
      %parallel_loop3A_122 = arith.index_cast %parallel_loop3A_84 : i32 to index
      %parallel_loop3A_123 = arith.constant 80 : index
      %parallel_loop3A_124 = tpu.vector_load %arg14[%parallel_loop3A_122, %parallel_loop3A_123] {strides = array<i32>} : memref<80x128xf32, #tpu.memory_space<vmem>>, vector<1x16xf32>,
      %parallel_loop3A_125 = vector.shape_cast %parallel_loop3A_124 : vector<1x16xf32> to vector<16xf32>
      %parallel_loop3A_126 = vector.shape_cast %parallel_loop3A_121 : vector<16xf32> to vector<1x16xf32>
      tpu.vector_store %arg14[%parallel_loop3A_122, %parallel_loop3A_123], %parallel_loop3A_126 {strides = array<i32>} : memref<80x128xf32, #tpu.memory_space<vmem>>, vector<1x16xf32>,
      %parallel_loop3A_127 = arith.constant 0.000000e+00 : f32
      %parallel_loop3A_128 = vector.broadcast %parallel_loop3A_127 : f32 to vector<16xf32>
      %parallel_loop3A_129 = arith.index_cast %parallel_loop3A_84 : i32 to index
      %parallel_loop3A_130 = arith.constant 96 : index
      %parallel_loop3A_131 = tpu.vector_load %arg14[%parallel_loop3A_129, %parallel_loop3A_130] {strides = array<i32>} : memref<80x128xf32, #tpu.memory_space<vmem>>, vector<1x16xf32>,
      %parallel_loop3A_132 = vector.shape_cast %parallel_loop3A_131 : vector<1x16xf32> to vector<16xf32>
      %parallel_loop3A_133 = vector.shape_cast %parallel_loop3A_128 : vector<16xf32> to vector<1x16xf32>
      tpu.vector_store %arg14[%parallel_loop3A_129, %parallel_loop3A_130], %parallel_loop3A_133 {strides = array<i32>} : memref<80x128xf32, #tpu.memory_space<vmem>>, vector<1x16xf32>,
      %parallel_loop3A_134 = arith.constant 0.000000e+00 : f32
      %parallel_loop3A_135 = vector.broadcast %parallel_loop3A_134 : f32 to vector<16xf32>
      %parallel_loop3A_136 = arith.index_cast %parallel_loop3A_84 : i32 to index
      %parallel_loop3A_137 = arith.constant 112 : index
      %parallel_loop3A_138 = tpu.vector_load %arg14[%parallel_loop3A_136, %parallel_loop3A_137] {strides = array<i32>} : memref<80x128xf32, #tpu.memory_space<vmem>>, vector<1x16xf32>,
      %parallel_loop3A_139 = vector.shape_cast %parallel_loop3A_138 : vector<1x16xf32> to vector<16xf32>
      %parallel_loop3A_140 = vector.shape_cast %parallel_loop3A_135 : vector<16xf32> to vector<1x16xf32>
      tpu.vector_store %arg14[%parallel_loop3A_136, %parallel_loop3A_137], %parallel_loop3A_140 {strides = array<i32>} : memref<80x128xf32, #tpu.memory_space<vmem>>, vector<1x16xf32>,
    } {sc.loop_unroll_factor = 4 : i64, sc.parallel_access}
    %mul3A_7 = arith.constant 125 : i32
    %mul3A_8 = arith.muli %arg1, %mul3A_7 : i32
    %jit3A = arith.constant 16 : i32
    %div3A = arith.divsi %mul3A_8, %jit3A : i32
    %sign3A = arith.constant 0 : i32
    %sign3A_9 = arith.cmpi sgt, %mul3A_8, %sign3A : i32
    %sign3A_10 = arith.extui %sign3A_9 : i1 to i32
    %sign3A_11 = arith.constant 0 : i32
    %sign3A_12 = arith.cmpi slt, %mul3A_8, %sign3A_11 : i32
    %sign3A_13 = arith.extui %sign3A_12 : i1 to i32
    %sign3A_14 = arith.subi %sign3A_10, %sign3A_13 : i32
    %sign3A_15 = arith.constant 0 : i32
    %sign3A_16 = arith.cmpi sgt, %jit3A, %sign3A_15 : i32
    %sign3A_17 = arith.extui %sign3A_16 : i1 to i32
    %sign3A_18 = arith.constant 0 : i32
    %sign3A_19 = arith.cmpi slt, %jit3A, %sign3A_18 : i32
    %sign3A_20 = arith.extui %sign3A_19 : i1 to i32
    %sign3A_21 = arith.subi %sign3A_17, %sign3A_20 : i32
    %ne3A = arith.cmpi ne, %sign3A_14, %sign3A_21 : i32
    %rem3A = arith.remsi %mul3A_8, %jit3A : i32
    %ne3A_22 = arith.constant 0 : i32
    %ne3A_23 = arith.cmpi ne, %rem3A, %ne3A_22 : i32
    %and3A = arith.andi %ne3A, %ne3A_23 : i1
    %sub3A = arith.constant 1 : i32
    %sub3A_24 = arith.subi %div3A, %sub3A : i32
    %select_n3A = arith.select %and3A, %sub3A_24, %div3A : i32
    %add3A = arith.constant 1 : i32
    %add3A_25 = arith.addi %arg1, %add3A : i32
    %mul3A_26 = arith.constant 125 : i32
    %mul3A_27 = arith.muli %add3A_25, %mul3A_26 : i32
    %jit3A_28 = arith.constant 16 : i32
    %div3A_29 = arith.divsi %mul3A_27, %jit3A_28 : i32
    %sign3A_30 = arith.constant 0 : i32
    %sign3A_31 = arith.cmpi sgt, %mul3A_27, %sign3A_30 : i32
    %sign3A_32 = arith.extui %sign3A_31 : i1 to i32
    %sign3A_33 = arith.constant 0 : i32
    %sign3A_34 = arith.cmpi slt, %mul3A_27, %sign3A_33 : i32
    %sign3A_35 = arith.extui %sign3A_34 : i1 to i32
    %sign3A_36 = arith.subi %sign3A_32, %sign3A_35 : i32
    %sign3A_37 = arith.constant 0 : i32
    %sign3A_38 = arith.cmpi sgt, %jit3A_28, %sign3A_37 : i32
    %sign3A_39 = arith.extui %sign3A_38 : i1 to i32
    %sign3A_40 = arith.constant 0 : i32
    %sign3A_41 = arith.cmpi slt, %jit3A_28, %sign3A_40 : i32
    %sign3A_42 = arith.extui %sign3A_41 : i1 to i32
    %sign3A_43 = arith.subi %sign3A_39, %sign3A_42 : i32
    %ne3A_44 = arith.cmpi ne, %sign3A_36, %sign3A_43 : i32
    %rem3A_45 = arith.remsi %mul3A_27, %jit3A_28 : i32
    %ne3A_46 = arith.constant 0 : i32
    %ne3A_47 = arith.cmpi ne, %rem3A_45, %ne3A_46 : i32
    %and3A_48 = arith.andi %ne3A_44, %ne3A_47 : i1
    %sub3A_49 = arith.constant 1 : i32
    %sub3A_50 = arith.subi %div3A_29, %sub3A_49 : i32
    %select_n3A_51 = arith.select %and3A_48, %sub3A_50, %div3A_29 : i32
    %while3A = arith.constant 0 : i32
    %while3A_52 = arith.subi %select_n3A_51, %select_n3A : i32
    %while3A_53 = arith.addi %select_n3A, %while3A_52 : i32
    %while3A_54 = arith.constant 1 : i32
    %while3A_55 = arith.divsi %while3A_52, %while3A_54 : i32
    %while3A_56 = arith.muli %while3A_55, %while3A_54 : i32
    %while3A_57 = arith.addi %select_n3A, %while3A_56 : i32
    %while3A_58 = arith.constant 1 : i32
    scf.for %while3A_84 = %select_n3A to %while3A_57 step %while3A_58  : i32 {
      %mul3A_85 = arith.constant 80 : i32
      %mul3A_86 = arith.muli %while3A_84, %mul3A_85 : i32
      "tpu.region"() ({
        %run_scoped3A = tpu.sem_alloc : memref<!tpu.dma_semaphore, #tpu.memory_space<semaphore_mem>>
        %dma_start3A_87 = arith.constant 0 : i32
        %dma_start3A_88 = tpu.memref_slice %arg23[%mul3A_86, %dma_start3A_87] : memref<10000x128xf32, #tpu.memory_space<vmem_shared>> -> memref<80x128xf32, #tpu.memory_space<vmem_shared>>
        %dma_start3A_89 = arith.constant 0 : i32
        %dma_start3A_90 = tpu.memref_slice %arg23[%mul3A_86, %dma_start3A_89] : memref<10000x128xf32, #tpu.memory_space<vmem_shared>> -> memref<80x128xf32, #tpu.memory_space<vmem_shared>>
        tpu.enqueue_dma source(%arg14 : memref<80x128xf32, #tpu.memory_space<vmem>>) target(%dma_start3A_90 : memref<80x128xf32, #tpu.memory_space<vmem_shared>>) target_semaphore(%run_scoped3A : memref<!tpu.dma_semaphore, #tpu.memory_space<semaphore_mem>>)
        %dma_wait3A_91 = arith.constant 0 : i32
        %dma_wait3A_92 = tpu.memref_slice %arg23[%mul3A_86, %dma_wait3A_91] : memref<10000x128xf32, #tpu.memory_space<vmem_shared>> -> memref<80x128xf32, #tpu.memory_space<vmem_shared>>
        %dma_wait3A_93 = arith.constant 0 : i32
        %dma_wait3A_94 = tpu.memref_slice %arg23[%mul3A_86, %dma_wait3A_93] : memref<10000x128xf32, #tpu.memory_space<vmem_shared>> -> memref<80x128xf32, #tpu.memory_space<vmem_shared>>
        tpu.wait_dma2 semaphore(%run_scoped3A : memref<!tpu.dma_semaphore, #tpu.memory_space<semaphore_mem>>) src(%arg14 : memref<80x128xf32, #tpu.memory_space<vmem>>) dst(%dma_wait3A_94 : memref<80x128xf32, #tpu.memory_space<vmem_shared>>)
        tpu.yield
      }) : () -> ()
    }
    %while3A_59 = arith.constant 1 : i32
    scf.for %while3A_84 = %while3A_57 to %while3A_53 step %while3A_59  : i32 {
      %mul3A_85 = arith.constant 80 : i32
      %mul3A_86 = arith.muli %while3A_84, %mul3A_85 : i32
      "tpu.region"() ({
        %run_scoped3A = tpu.sem_alloc : memref<!tpu.dma_semaphore, #tpu.memory_space<semaphore_mem>>
        %dma_start3A_87 = arith.constant 0 : i32
        %dma_start3A_88 = tpu.memref_slice %arg23[%mul3A_86, %dma_start3A_87] : memref<10000x128xf32, #tpu.memory_space<vmem_shared>> -> memref<80x128xf32, #tpu.memory_space<vmem_shared>>
        %dma_start3A_89 = arith.constant 0 : i32
        %dma_start3A_90 = tpu.memref_slice %arg23[%mul3A_86, %dma_start3A_89] : memref<10000x128xf32, #tpu.memory_space<vmem_shared>> -> memref<80x128xf32, #tpu.memory_space<vmem_shared>>
        tpu.enqueue_dma source(%arg14 : memref<80x128xf32, #tpu.memory_space<vmem>>) target(%dma_start3A_90 : memref<80x128xf32, #tpu.memory_space<vmem_shared>>) target_semaphore(%run_scoped3A : memref<!tpu.dma_semaphore, #tpu.memory_space<semaphore_mem>>)
        %dma_wait3A_91 = arith.constant 0 : i32
        %dma_wait3A_92 = tpu.memref_slice %arg23[%mul3A_86, %dma_wait3A_91] : memref<10000x128xf32, #tpu.memory_space<vmem_shared>> -> memref<80x128xf32, #tpu.memory_space<vmem_shared>>
        %dma_wait3A_93 = arith.constant 0 : i32
        %dma_wait3A_94 = tpu.memref_slice %arg23[%mul3A_86, %dma_wait3A_93] : memref<10000x128xf32, #tpu.memory_space<vmem_shared>> -> memref<80x128xf32, #tpu.memory_space<vmem_shared>>
        tpu.wait_dma2 semaphore(%run_scoped3A : memref<!tpu.dma_semaphore, #tpu.memory_space<semaphore_mem>>) src(%arg14 : memref<80x128xf32, #tpu.memory_space<vmem>>) dst(%dma_wait3A_94 : memref<80x128xf32, #tpu.memory_space<vmem_shared>>)
        tpu.yield
      }) : () -> ()
    }
    %barrier3A = arith.constant 0 : index
    tpu.barrier barrier_id(%barrier3A)
    %add3A_60 = arith.constant 0 : i32
    %add3A_61 = arith.addi %mul3A_2, %add3A_60 : i32
    %dma_start3A = tpu.memref_slice %arg3[%add3A_61] : memref<320000xi32, #tpu.memory_space<hbm>> -> memref<80xi32, #tpu.memory_space<hbm>>
    %dma_start3A_62 = tpu.memref_slice %arg3[%add3A_61] : memref<320000xi32, #tpu.memory_space<hbm>> -> memref<80xi32, #tpu.memory_space<hbm>>
    tpu.enqueue_dma source(%dma_start3A_62 : memref<80xi32, #tpu.memory_space<hbm>>) target(%arg10 : memref<80xi32, #tpu.memory_space<vmem>>) target_semaphore(%arg19 : memref<!tpu.dma_semaphore, #tpu.memory_space<semaphore_mem>>)
    %dma_start3A_63 = tpu.memref_slice %arg2[%add3A_61, %mul3A_0] : memref<320000x128xf32, #tpu.memory_space<hbm>> -> memref<80x64xf32, #tpu.memory_space<hbm>>
    %dma_start3A_64 = tpu.memref_slice %arg2[%add3A_61, %mul3A_0] : memref<320000x128xf32, #tpu.memory_space<hbm>> -> memref<80x64xf32, #tpu.memory_space<hbm>>
    tpu.enqueue_dma source(%dma_start3A_64 : memref<80x64xf32, #tpu.memory_space<hbm>>) target(%arg6 : memref<80x64xf32, #tpu.memory_space<vmem>>) target_semaphore(%arg17 : memref<!tpu.dma_semaphore, #tpu.memory_space<semaphore_mem>>)
    %scan3A = arith.constant 0 : i32
    %scan3A_65 = arith.constant 125 : i32
    %scan3A_66 = arith.addi %scan3A, %scan3A_65 : i32
    %scan3A_67 = arith.constant 1 : i32
    scf.for %scan3A_84 = %scan3A to %scan3A_66 step %scan3A_67  : i32 {
      %mul3A_85 = arith.constant 2 : i32
      %mul3A_86 = arith.muli %scan3A_84, %mul3A_85 : i32
      %add3A_87 = arith.constant 0 : i32
      %add3A_88 = arith.addi %add3A_87, %mul3A_86 : i32
      %add3A_89 = arith.constant 1 : i32
      %add3A_90 = arith.addi %add3A_88, %add3A_89 : i32
      %mul3A_91 = arith.constant 80 : i32
      %mul3A_92 = arith.muli %add3A_90, %mul3A_91 : i32
      %add3A_93 = arith.addi %mul3A_2, %mul3A_92 : i32
      %dma_start3A_94 = tpu.memref_slice %arg3[%add3A_93] : memref<320000xi32, #tpu.memory_space<hbm>> -> memref<80xi32, #tpu.memory_space<hbm>>
      %dma_start3A_95 = tpu.memref_slice %arg3[%add3A_93] : memref<320000xi32, #tpu.memory_space<hbm>> -> memref<80xi32, #tpu.memory_space<hbm>>
      tpu.enqueue_dma source(%dma_start3A_95 : memref<80xi32, #tpu.memory_space<hbm>>) target(%arg11 : memref<80xi32, #tpu.memory_space<vmem>>) target_semaphore(%arg20 : memref<!tpu.dma_semaphore, #tpu.memory_space<semaphore_mem>>)
      %dma_start3A_96 = tpu.memref_slice %arg2[%add3A_93, %mul3A_0] : memref<320000x128xf32, #tpu.memory_space<hbm>> -> memref<80x64xf32, #tpu.memory_space<hbm>>
      %dma_start3A_97 = tpu.memref_slice %arg2[%add3A_93, %mul3A_0] : memref<320000x128xf32, #tpu.memory_space<hbm>> -> memref<80x64xf32, #tpu.memory_space<hbm>>
      tpu.enqueue_dma source(%dma_start3A_97 : memref<80x64xf32, #tpu.memory_space<hbm>>) target(%arg7 : memref<80x64xf32, #tpu.memory_space<vmem>>) target_semaphore(%arg18 : memref<!tpu.dma_semaphore, #tpu.memory_space<semaphore_mem>>)
      %dma_wait3A_98 = arith.constant 0 : i32
      %dma_wait3A_99 = tpu.memref_slice %arg3[%dma_wait3A_98] : memref<320000xi32, #tpu.memory_space<hbm>> -> memref<80xi32, #tpu.memory_space<hbm>>
      %dma_wait3A_100 = arith.constant 0 : i32
      %dma_wait3A_101 = tpu.memref_slice %arg3[%dma_wait3A_100] : memref<320000xi32, #tpu.memory_space<hbm>> -> memref<80xi32, #tpu.memory_space<hbm>>
      tpu.wait_dma2 semaphore(%arg19 : memref<!tpu.dma_semaphore, #tpu.memory_space<semaphore_mem>>) src(%dma_wait3A_101 : memref<80xi32, #tpu.memory_space<hbm>>) dst(%arg10 : memref<80xi32, #tpu.memory_space<vmem>>)
      %dma_wait3A_102 = arith.constant 0 : i32
      %dma_wait3A_103 = arith.constant 0 : i32
      %dma_wait3A_104 = tpu.memref_slice %arg2[%dma_wait3A_102, %dma_wait3A_103] : memref<320000x128xf32, #tpu.memory_space<hbm>> -> memref<80x64xf32, #tpu.memory_space<hbm>>
      %dma_wait3A_105 = arith.constant 0 : i32
      %dma_wait3A_106 = arith.constant 0 : i32
      %dma_wait3A_107 = tpu.memref_slice %arg2[%dma_wait3A_105, %dma_wait3A_106] : memref<320000x128xf32, #tpu.memory_space<hbm>> -> memref<80x64xf32, #tpu.memory_space<hbm>>
      tpu.wait_dma2 semaphore(%arg17 : memref<!tpu.dma_semaphore, #tpu.memory_space<semaphore_mem>>) src(%dma_wait3A_107 : memref<80x64xf32, #tpu.memory_space<hbm>>) dst(%arg6 : memref<80x64xf32, #tpu.memory_space<vmem>>)
      %ge3A = arith.constant 2 : i32
      %ge3A_108 = arith.cmpi sge, %add3A_88, %ge3A : i32
      %convert_element_type3A = arith.extui %ge3A_108 : i1 to i32
      %cond3A = arith.constant 0 : i32
      %cond3A_109 = arith.cmpi ne, %convert_element_type3A, %cond3A : i32
      scf.if %cond3A_109 {
        %dma_wait3A_210 = arith.constant 0 : i32
        %dma_wait3A_211 = arith.constant 0 : i32
        %dma_wait3A_212 = tpu.memref_slice %arg23[%dma_wait3A_210, %dma_wait3A_211] : memref<10000x128xf32, #tpu.memory_space<vmem_shared>> -> memref<10000x128xf32, #tpu.memory_space<vmem_shared>>
        tpu.wait_indirect_dma semaphore(%arg21 : memref<!tpu.dma_semaphore, #tpu.memory_space<semaphore_mem>>) src(%arg8 : memref<80x128xf32, #tpu.memory_space<vmem>>) dst(%dma_wait3A_212 : memref<10000x128xf32, #tpu.memory_space<vmem_shared>>)
      } else {
      }
      %parallel_loop3A_110 = arith.constant 0 : i32
      %parallel_loop3A_111 = arith.constant 80 : i32
      %parallel_loop3A_112 = arith.constant 1 : i32
      scf.for %parallel_loop3A_210 = %parallel_loop3A_110 to %parallel_loop3A_111 step %parallel_loop3A_112  : i32 {
        %parallel_loop3A_211 = arith.index_cast %parallel_loop3A_210 : i32 to index
        %parallel_loop3A_212 = arith.constant 0 : index
        %parallel_loop3A_213 = tpu.vector_load %arg6[%parallel_loop3A_211, %parallel_loop3A_212] {strides = array<i32>} : memref<80x64xf32, #tpu.memory_space<vmem>>, vector<1x16xf32>,
        %parallel_loop3A_214 = vector.shape_cast %parallel_loop3A_213 : vector<1x16xf32> to vector<16xf32>
        %parallel_loop3A_215 = arith.index_cast %parallel_loop3A_210 : i32 to index
        %parallel_loop3A_216 = arith.constant 16 : index
        %parallel_loop3A_217 = tpu.vector_load %arg6[%parallel_loop3A_215, %parallel_loop3A_216] {strides = array<i32>} : memref<80x64xf32, #tpu.memory_space<vmem>>, vector<1x16xf32>,
        %parallel_loop3A_218 = vector.shape_cast %parallel_loop3A_217 : vector<1x16xf32> to vector<16xf32>
        %parallel_loop3A_219 = arith.index_cast %parallel_loop3A_210 : i32 to index
        %parallel_loop3A_220 = arith.constant 32 : index
        %parallel_loop3A_221 = tpu.vector_load %arg6[%parallel_loop3A_219, %parallel_loop3A_220] {strides = array<i32>} : memref<80x64xf32, #tpu.memory_space<vmem>>, vector<1x16xf32>,
        %parallel_loop3A_222 = vector.shape_cast %parallel_loop3A_221 : vector<1x16xf32> to vector<16xf32>
        %parallel_loop3A_223 = arith.index_cast %parallel_loop3A_210 : i32 to index
        %parallel_loop3A_224 = arith.constant 48 : index
        %parallel_loop3A_225 = tpu.vector_load %arg6[%parallel_loop3A_223, %parallel_loop3A_224] {strides = array<i32>} : memref<80x64xf32, #tpu.memory_space<vmem>>, vector<1x16xf32>,
        %parallel_loop3A_226 = vector.shape_cast %parallel_loop3A_225 : vector<1x16xf32> to vector<16xf32>
        %parallel_loop3A_227 = arith.mulf %parallel_loop3A_214, %get3A_4 : vector<16xf32>
        %parallel_loop3A_228 = math.exp %parallel_loop3A_227 : vector<16xf32>
        %parallel_loop3A_229 = arith.mulf %parallel_loop3A_218, %get3A_4 : vector<16xf32>
        %parallel_loop3A_230 = math.exp %parallel_loop3A_229 : vector<16xf32>
        %parallel_loop3A_231 = arith.mulf %parallel_loop3A_222, %get3A_4 : vector<16xf32>
        %parallel_loop3A_232 = math.exp %parallel_loop3A_231 : vector<16xf32>
        %parallel_loop3A_233 = arith.mulf %parallel_loop3A_226, %get3A_4 : vector<16xf32>
        %parallel_loop3A_234 = math.exp %parallel_loop3A_233 : vector<16xf32>
        %parallel_loop3A_235 = arith.index_cast %parallel_loop3A_210 : i32 to index
        %parallel_loop3A_236 = arith.constant 64 : index
        %parallel_loop3A_237 = tpu.vector_load %arg8[%parallel_loop3A_235, %parallel_loop3A_236] {strides = array<i32>} : memref<80x128xf32, #tpu.memory_space<vmem>>, vector<1x16xf32>,
        %parallel_loop3A_238 = vector.shape_cast %parallel_loop3A_237 : vector<1x16xf32> to vector<16xf32>
        %parallel_loop3A_239 = vector.shape_cast %parallel_loop3A_228 : vector<16xf32> to vector<1x16xf32>
        tpu.vector_store %arg8[%parallel_loop3A_235, %parallel_loop3A_236], %parallel_loop3A_239 {strides = array<i32>} : memref<80x128xf32, #tpu.memory_space<vmem>>, vector<1x16xf32>,
        %parallel_loop3A_240 = arith.index_cast %parallel_loop3A_210 : i32 to index
        %parallel_loop3A_241 = arith.constant 80 : index
        %parallel_loop3A_242 = tpu.vector_load %arg8[%parallel_loop3A_240, %parallel_loop3A_241] {strides = array<i32>} : memref<80x128xf32, #tpu.memory_space<vmem>>, vector<1x16xf32>,
        %parallel_loop3A_243 = vector.shape_cast %parallel_loop3A_242 : vector<1x16xf32> to vector<16xf32>
        %parallel_loop3A_244 = vector.shape_cast %parallel_loop3A_230 : vector<16xf32> to vector<1x16xf32>
        tpu.vector_store %arg8[%parallel_loop3A_240, %parallel_loop3A_241], %parallel_loop3A_244 {strides = array<i32>} : memref<80x128xf32, #tpu.memory_space<vmem>>, vector<1x16xf32>,
        %parallel_loop3A_245 = arith.index_cast %parallel_loop3A_210 : i32 to index
        %parallel_loop3A_246 = arith.constant 96 : index
        %parallel_loop3A_247 = tpu.vector_load %arg8[%parallel_loop3A_245, %parallel_loop3A_246] {strides = array<i32>} : memref<80x128xf32, #tpu.memory_space<vmem>>, vector<1x16xf32>,
        %parallel_loop3A_248 = vector.shape_cast %parallel_loop3A_247 : vector<1x16xf32> to vector<16xf32>
        %parallel_loop3A_249 = vector.shape_cast %parallel_loop3A_232 : vector<16xf32> to vector<1x16xf32>
        tpu.vector_store %arg8[%parallel_loop3A_245, %parallel_loop3A_246], %parallel_loop3A_249 {strides = array<i32>} : memref<80x128xf32, #tpu.memory_space<vmem>>, vector<1x16xf32>,
        %parallel_loop3A_250 = arith.index_cast %parallel_loop3A_210 : i32 to index
        %parallel_loop3A_251 = arith.constant 112 : index
        %parallel_loop3A_252 = tpu.vector_load %arg8[%parallel_loop3A_250, %parallel_loop3A_251] {strides = array<i32>} : memref<80x128xf32, #tpu.memory_space<vmem>>, vector<1x16xf32>,
        %parallel_loop3A_253 = vector.shape_cast %parallel_loop3A_252 : vector<1x16xf32> to vector<16xf32>
        %parallel_loop3A_254 = vector.shape_cast %parallel_loop3A_234 : vector<16xf32> to vector<1x16xf32>
        tpu.vector_store %arg8[%parallel_loop3A_250, %parallel_loop3A_251], %parallel_loop3A_254 {strides = array<i32>} : memref<80x128xf32, #tpu.memory_space<vmem>>, vector<1x16xf32>,
        %parallel_loop3A_255 = arith.mulf %parallel_loop3A_214, %parallel_loop3A_228 : vector<16xf32>
        %parallel_loop3A_256 = arith.index_cast %parallel_loop3A_210 : i32 to index
        %parallel_loop3A_257 = arith.constant 0 : index
        %parallel_loop3A_258 = tpu.vector_load %arg8[%parallel_loop3A_256, %parallel_loop3A_257] {strides = array<i32>} : memref<80x128xf32, #tpu.memory_space<vmem>>, vector<1x16xf32>,
        %parallel_loop3A_259 = vector.shape_cast %parallel_loop3A_258 : vector<1x16xf32> to vector<16xf32>
        %parallel_loop3A_260 = vector.shape_cast %parallel_loop3A_255 : vector<16xf32> to vector<1x16xf32>
        tpu.vector_store %arg8[%parallel_loop3A_256, %parallel_loop3A_257], %parallel_loop3A_260 {strides = array<i32>} : memref<80x128xf32, #tpu.memory_space<vmem>>, vector<1x16xf32>,
        %parallel_loop3A_261 = arith.mulf %parallel_loop3A_218, %parallel_loop3A_230 : vector<16xf32>
        %parallel_loop3A_262 = arith.index_cast %parallel_loop3A_210 : i32 to index
        %parallel_loop3A_263 = arith.constant 16 : index
        %parallel_loop3A_264 = tpu.vector_load %arg8[%parallel_loop3A_262, %parallel_loop3A_263] {strides = array<i32>} : memref<80x128xf32, #tpu.memory_space<vmem>>, vector<1x16xf32>,
        %parallel_loop3A_265 = vector.shape_cast %parallel_loop3A_264 : vector<1x16xf32> to vector<16xf32>
        %parallel_loop3A_266 = vector.shape_cast %parallel_loop3A_261 : vector<16xf32> to vector<1x16xf32>
        tpu.vector_store %arg8[%parallel_loop3A_262, %parallel_loop3A_263], %parallel_loop3A_266 {strides = array<i32>} : memref<80x128xf32, #tpu.memory_space<vmem>>, vector<1x16xf32>,
        %parallel_loop3A_267 = arith.mulf %parallel_loop3A_222, %parallel_loop3A_232 : vector<16xf32>
        %parallel_loop3A_268 = arith.index_cast %parallel_loop3A_210 : i32 to index
        %parallel_loop3A_269 = arith.constant 32 : index
        %parallel_loop3A_270 = tpu.vector_load %arg8[%parallel_loop3A_268, %parallel_loop3A_269] {strides = array<i32>} : memref<80x128xf32, #tpu.memory_space<vmem>>, vector<1x16xf32>,
        %parallel_loop3A_271 = vector.shape_cast %parallel_loop3A_270 : vector<1x16xf32> to vector<16xf32>
        %parallel_loop3A_272 = vector.shape_cast %parallel_loop3A_267 : vector<16xf32> to vector<1x16xf32>
        tpu.vector_store %arg8[%parallel_loop3A_268, %parallel_loop3A_269], %parallel_loop3A_272 {strides = array<i32>} : memref<80x128xf32, #tpu.memory_space<vmem>>, vector<1x16xf32>,
        %parallel_loop3A_273 = arith.mulf %parallel_loop3A_226, %parallel_loop3A_234 : vector<16xf32>
        %parallel_loop3A_274 = arith.index_cast %parallel_loop3A_210 : i32 to index
        %parallel_loop3A_275 = arith.constant 48 : index
        %parallel_loop3A_276 = tpu.vector_load %arg8[%parallel_loop3A_274, %parallel_loop3A_275] {strides = array<i32>} : memref<80x128xf32, #tpu.memory_space<vmem>>, vector<1x16xf32>,
        %parallel_loop3A_277 = vector.shape_cast %parallel_loop3A_276 : vector<1x16xf32> to vector<16xf32>
        %parallel_loop3A_278 = vector.shape_cast %parallel_loop3A_273 : vector<16xf32> to vector<1x16xf32>
        tpu.vector_store %arg8[%parallel_loop3A_274, %parallel_loop3A_275], %parallel_loop3A_278 {strides = array<i32>} : memref<80x128xf32, #tpu.memory_space<vmem>>, vector<1x16xf32>,
      } {sc.loop_unroll_factor = 4 : i64, sc.parallel_access}
      %get3A_113 = arith.constant 0 : index
      %get3A_114 = tpu.vector_load %arg10[%get3A_113] {strides = array<i32>} : memref<80xi32, #tpu.memory_space<vmem>>, vector<16xi32>,
      %get3A_115 = vector.shape_cast %get3A_114 : vector<16xi32> to vector<16xi32>
      %swap3A = arith.constant 0 : index
      %swap3A_116 = tpu.vector_load %arg12[%swap3A] {strides = array<i32>} : memref<80xi32, #tpu.memory_space<vmem>>, vector<16xi32>,
      %swap3A_117 = vector.shape_cast %swap3A_116 : vector<16xi32> to vector<16xi32>
      %swap3A_118 = vector.shape_cast %get3A_115 : vector<16xi32> to vector<16xi32>
      tpu.vector_store %arg12[%swap3A], %swap3A_118 {strides = array<i32>} : memref<80xi32, #tpu.memory_space<vmem>>, vector<16xi32>,
      %get3A_119 = arith.constant 16 : index
      %get3A_120 = tpu.vector_load %arg10[%get3A_119] {strides = array<i32>} : memref<80xi32, #tpu.memory_space<vmem>>, vector<16xi32>,
      %get3A_121 = vector.shape_cast %get3A_120 : vector<16xi32> to vector<16xi32>
      %swap3A_122 = arith.constant 16 : index
      %swap3A_123 = tpu.vector_load %arg12[%swap3A_122] {strides = array<i32>} : memref<80xi32, #tpu.memory_space<vmem>>, vector<16xi32>,
      %swap3A_124 = vector.shape_cast %swap3A_123 : vector<16xi32> to vector<16xi32>
      %swap3A_125 = vector.shape_cast %get3A_121 : vector<16xi32> to vector<16xi32>
      tpu.vector_store %arg12[%swap3A_122], %swap3A_125 {strides = array<i32>} : memref<80xi32, #tpu.memory_space<vmem>>, vector<16xi32>,
      %get3A_126 = arith.constant 32 : index
      %get3A_127 = tpu.vector_load %arg10[%get3A_126] {strides = array<i32>} : memref<80xi32, #tpu.memory_space<vmem>>, vector<16xi32>,
      %get3A_128 = vector.shape_cast %get3A_127 : vector<16xi32> to vector<16xi32>
      %swap3A_129 = arith.constant 32 : index
      %swap3A_130 = tpu.vector_load %arg12[%swap3A_129] {strides = array<i32>} : memref<80xi32, #tpu.memory_space<vmem>>, vector<16xi32>,
      %swap3A_131 = vector.shape_cast %swap3A_130 : vector<16xi32> to vector<16xi32>
      %swap3A_132 = vector.shape_cast %get3A_128 : vector<16xi32> to vector<16xi32>
      tpu.vector_store %arg12[%swap3A_129], %swap3A_132 {strides = array<i32>} : memref<80xi32, #tpu.memory_space<vmem>>, vector<16xi32>,
      %get3A_133 = arith.constant 48 : index
      %get3A_134 = tpu.vector_load %arg10[%get3A_133] {strides = array<i32>} : memref<80xi32, #tpu.memory_space<vmem>>, vector<16xi32>,
      %get3A_135 = vector.shape_cast %get3A_134 : vector<16xi32> to vector<16xi32>
      %swap3A_136 = arith.constant 48 : index
      %swap3A_137 = tpu.vector_load %arg12[%swap3A_136] {strides = array<i32>} : memref<80xi32, #tpu.memory_space<vmem>>, vector<16xi32>,
      %swap3A_138 = vector.shape_cast %swap3A_137 : vector<16xi32> to vector<16xi32>
      %swap3A_139 = vector.shape_cast %get3A_135 : vector<16xi32> to vector<16xi32>
      tpu.vector_store %arg12[%swap3A_136], %swap3A_139 {strides = array<i32>} : memref<80xi32, #tpu.memory_space<vmem>>, vector<16xi32>,
      %get3A_140 = arith.constant 64 : index
      %get3A_141 = tpu.vector_load %arg10[%get3A_140] {strides = array<i32>} : memref<80xi32, #tpu.memory_space<vmem>>, vector<16xi32>,
      %get3A_142 = vector.shape_cast %get3A_141 : vector<16xi32> to vector<16xi32>
      %swap3A_143 = arith.constant 64 : index
      %swap3A_144 = tpu.vector_load %arg12[%swap3A_143] {strides = array<i32>} : memref<80xi32, #tpu.memory_space<vmem>>, vector<16xi32>,
      %swap3A_145 = vector.shape_cast %swap3A_144 : vector<16xi32> to vector<16xi32>
      %swap3A_146 = vector.shape_cast %get3A_142 : vector<16xi32> to vector<16xi32>
      tpu.vector_store %arg12[%swap3A_143], %swap3A_146 {strides = array<i32>} : memref<80xi32, #tpu.memory_space<vmem>>, vector<16xi32>,
      %dma_start3A_147 = arith.constant 0 : i32
      %dma_start3A_148 = arith.constant 0 : i32
      %dma_start3A_149 = tpu.memref_slice %arg23[%dma_start3A_147, %dma_start3A_148] : memref<10000x128xf32, #tpu.memory_space<vmem_shared>> -> memref<10000x128xf32, #tpu.memory_space<vmem_shared>>
      tpu.enqueue_indirect_dma source(%arg8 : memref<80x128xf32, #tpu.memory_space<vmem>>) target(%dma_start3A_149 : memref<10000x128xf32, #tpu.memory_space<vmem_shared>>) offsets(%arg12 : memref<80xi32, #tpu.memory_space<vmem>>) semaphore(%arg21 : memref<!tpu.dma_semaphore, #tpu.memory_space<semaphore_mem>>) {add = true}
      %lt3A = arith.constant 248 : i32
      %lt3A_150 = arith.cmpi slt, %add3A_88, %lt3A : i32
      %convert_element_type3A_151 = arith.extui %lt3A_150 : i1 to i32
      %cond3A_152 = arith.constant 0 : i32
      %cond3A_153 = arith.cmpi ne, %convert_element_type3A_151, %cond3A_152 : i32
      scf.if %cond3A_153 {
        %add3A_210 = arith.constant 2 : i32
        %add3A_211 = arith.addi %add3A_88, %add3A_210 : i32
        %mul3A_212 = arith.constant 80 : i32
        %mul3A_213 = arith.muli %add3A_211, %mul3A_212 : i32
        %add3A_214 = arith.addi %mul3A_2, %mul3A_213 : i32
        %dma_start3A_215 = tpu.memref_slice %arg3[%add3A_214] : memref<320000xi32, #tpu.memory_space<hbm>> -> memref<80xi32, #tpu.memory_space<hbm>>
        %dma_start3A_216 = tpu.memref_slice %arg3[%add3A_214] : memref<320000xi32, #tpu.memory_space<hbm>> -> memref<80xi32, #tpu.memory_space<hbm>>
        tpu.enqueue_dma source(%dma_start3A_216 : memref<80xi32, #tpu.memory_space<hbm>>) target(%arg10 : memref<80xi32, #tpu.memory_space<vmem>>) target_semaphore(%arg19 : memref<!tpu.dma_semaphore, #tpu.memory_space<semaphore_mem>>)
        %dma_start3A_217 = tpu.memref_slice %arg2[%add3A_214, %mul3A_0] : memref<320000x128xf32, #tpu.memory_space<hbm>> -> memref<80x64xf32, #tpu.memory_space<hbm>>
        %dma_start3A_218 = tpu.memref_slice %arg2[%add3A_214, %mul3A_0] : memref<320000x128xf32, #tpu.memory_space<hbm>> -> memref<80x64xf32, #tpu.memory_space<hbm>>
        tpu.enqueue_dma source(%dma_start3A_218 : memref<80x64xf32, #tpu.memory_space<hbm>>) target(%arg6 : memref<80x64xf32, #tpu.memory_space<vmem>>) target_semaphore(%arg17 : memref<!tpu.dma_semaphore, #tpu.memory_space<semaphore_mem>>)
      } else {
      }
      %dma_wait3A_154 = arith.constant 0 : i32
      %dma_wait3A_155 = tpu.memref_slice %arg3[%dma_wait3A_154] : memref<320000xi32, #tpu.memory_space<hbm>> -> memref<80xi32, #tpu.memory_space<hbm>>
      %dma_wait3A_156 = arith.constant 0 : i32
      %dma_wait3A_157 = tpu.memref_slice %arg3[%dma_wait3A_156] : memref<320000xi32, #tpu.memory_space<hbm>> -> memref<80xi32, #tpu.memory_space<hbm>>
      tpu.wait_dma2 semaphore(%arg20 : memref<!tpu.dma_semaphore, #tpu.memory_space<semaphore_mem>>) src(%dma_wait3A_157 : memref<80xi32, #tpu.memory_space<hbm>>) dst(%arg11 : memref<80xi32, #tpu.memory_space<vmem>>)
      %dma_wait3A_158 = arith.constant 0 : i32
      %dma_wait3A_159 = arith.constant 0 : i32
      %dma_wait3A_160 = tpu.memref_slice %arg2[%dma_wait3A_158, %dma_wait3A_159] : memref<320000x128xf32, #tpu.memory_space<hbm>> -> memref<80x64xf32, #tpu.memory_space<hbm>>
      %dma_wait3A_161 = arith.constant 0 : i32
      %dma_wait3A_162 = arith.constant 0 : i32
      %dma_wait3A_163 = tpu.memref_slice %arg2[%dma_wait3A_161, %dma_wait3A_162] : memref<320000x128xf32, #tpu.memory_space<hbm>> -> memref<80x64xf32, #tpu.memory_space<hbm>>
      tpu.wait_dma2 semaphore(%arg18 : memref<!tpu.dma_semaphore, #tpu.memory_space<semaphore_mem>>) src(%dma_wait3A_163 : memref<80x64xf32, #tpu.memory_space<hbm>>) dst(%arg7 : memref<80x64xf32, #tpu.memory_space<vmem>>)
      %ge3A_164 = arith.constant 2 : i32
      %ge3A_165 = arith.cmpi sge, %add3A_88, %ge3A_164 : i32
      %convert_element_type3A_166 = arith.extui %ge3A_165 : i1 to i32
      %cond3A_167 = arith.constant 0 : i32
      %cond3A_168 = arith.cmpi ne, %convert_element_type3A_166, %cond3A_167 : i32
      scf.if %cond3A_168 {
        %dma_wait3A_210 = arith.constant 0 : i32
        %dma_wait3A_211 = arith.constant 0 : i32
        %dma_wait3A_212 = tpu.memref_slice %arg23[%dma_wait3A_210, %dma_wait3A_211] : memref<10000x128xf32, #tpu.memory_space<vmem_shared>> -> memref<10000x128xf32, #tpu.memory_space<vmem_shared>>
        tpu.wait_indirect_dma semaphore(%arg22 : memref<!tpu.dma_semaphore, #tpu.memory_space<semaphore_mem>>) src(%arg9 : memref<80x128xf32, #tpu.memory_space<vmem>>) dst(%dma_wait3A_212 : memref<10000x128xf32, #tpu.memory_space<vmem_shared>>)
      } else {
      }
      %parallel_loop3A_169 = arith.constant 0 : i32
      %parallel_loop3A_170 = arith.constant 80 : i32
      %parallel_loop3A_171 = arith.constant 1 : i32
      scf.for %parallel_loop3A_210 = %parallel_loop3A_169 to %parallel_loop3A_170 step %parallel_loop3A_171  : i32 {
        %parallel_loop3A_211 = arith.index_cast %parallel_loop3A_210 : i32 to index
        %parallel_loop3A_212 = arith.constant 0 : index
        %parallel_loop3A_213 = tpu.vector_load %arg7[%parallel_loop3A_211, %parallel_loop3A_212] {strides = array<i32>} : memref<80x64xf32, #tpu.memory_space<vmem>>, vector<1x16xf32>,
        %parallel_loop3A_214 = vector.shape_cast %parallel_loop3A_213 : vector<1x16xf32> to vector<16xf32>
        %parallel_loop3A_215 = arith.index_cast %parallel_loop3A_210 : i32 to index
        %parallel_loop3A_216 = arith.constant 16 : index
        %parallel_loop3A_217 = tpu.vector_load %arg7[%parallel_loop3A_215, %parallel_loop3A_216] {strides = array<i32>} : memref<80x64xf32, #tpu.memory_space<vmem>>, vector<1x16xf32>,
        %parallel_loop3A_218 = vector.shape_cast %parallel_loop3A_217 : vector<1x16xf32> to vector<16xf32>
        %parallel_loop3A_219 = arith.index_cast %parallel_loop3A_210 : i32 to index
        %parallel_loop3A_220 = arith.constant 32 : index
        %parallel_loop3A_221 = tpu.vector_load %arg7[%parallel_loop3A_219, %parallel_loop3A_220] {strides = array<i32>} : memref<80x64xf32, #tpu.memory_space<vmem>>, vector<1x16xf32>,
        %parallel_loop3A_222 = vector.shape_cast %parallel_loop3A_221 : vector<1x16xf32> to vector<16xf32>
        %parallel_loop3A_223 = arith.index_cast %parallel_loop3A_210 : i32 to index
        %parallel_loop3A_224 = arith.constant 48 : index
        %parallel_loop3A_225 = tpu.vector_load %arg7[%parallel_loop3A_223, %parallel_loop3A_224] {strides = array<i32>} : memref<80x64xf32, #tpu.memory_space<vmem>>, vector<1x16xf32>,
        %parallel_loop3A_226 = vector.shape_cast %parallel_loop3A_225 : vector<1x16xf32> to vector<16xf32>
        %parallel_loop3A_227 = arith.mulf %parallel_loop3A_214, %get3A_4 : vector<16xf32>
        %parallel_loop3A_228 = math.exp %parallel_loop3A_227 : vector<16xf32>
        %parallel_loop3A_229 = arith.mulf %parallel_loop3A_218, %get3A_4 : vector<16xf32>
        %parallel_loop3A_230 = math.exp %parallel_loop3A_229 : vector<16xf32>
        %parallel_loop3A_231 = arith.mulf %parallel_loop3A_222, %get3A_4 : vector<16xf32>
        %parallel_loop3A_232 = math.exp %parallel_loop3A_231 : vector<16xf32>
        %parallel_loop3A_233 = arith.mulf %parallel_loop3A_226, %get3A_4 : vector<16xf32>
        %parallel_loop3A_234 = math.exp %parallel_loop3A_233 : vector<16xf32>
        %parallel_loop3A_235 = arith.index_cast %parallel_loop3A_210 : i32 to index
        %parallel_loop3A_236 = arith.constant 64 : index
        %parallel_loop3A_237 = tpu.vector_load %arg9[%parallel_loop3A_235, %parallel_loop3A_236] {strides = array<i32>} : memref<80x128xf32, #tpu.memory_space<vmem>>, vector<1x16xf32>,
        %parallel_loop3A_238 = vector.shape_cast %parallel_loop3A_237 : vector<1x16xf32> to vector<16xf32>
        %parallel_loop3A_239 = vector.shape_cast %parallel_loop3A_228 : vector<16xf32> to vector<1x16xf32>
        tpu.vector_store %arg9[%parallel_loop3A_235, %parallel_loop3A_236], %parallel_loop3A_239 {strides = array<i32>} : memref<80x128xf32, #tpu.memory_space<vmem>>, vector<1x16xf32>,
        %parallel_loop3A_240 = arith.index_cast %parallel_loop3A_210 : i32 to index
        %parallel_loop3A_241 = arith.constant 80 : index
        %parallel_loop3A_242 = tpu.vector_load %arg9[%parallel_loop3A_240, %parallel_loop3A_241] {strides = array<i32>} : memref<80x128xf32, #tpu.memory_space<vmem>>, vector<1x16xf32>,
        %parallel_loop3A_243 = vector.shape_cast %parallel_loop3A_242 : vector<1x16xf32> to vector<16xf32>
        %parallel_loop3A_244 = vector.shape_cast %parallel_loop3A_230 : vector<16xf32> to vector<1x16xf32>
        tpu.vector_store %arg9[%parallel_loop3A_240, %parallel_loop3A_241], %parallel_loop3A_244 {strides = array<i32>} : memref<80x128xf32, #tpu.memory_space<vmem>>, vector<1x16xf32>,
        %parallel_loop3A_245 = arith.index_cast %parallel_loop3A_210 : i32 to index
        %parallel_loop3A_246 = arith.constant 96 : index
        %parallel_loop3A_247 = tpu.vector_load %arg9[%parallel_loop3A_245, %parallel_loop3A_246] {strides = array<i32>} : memref<80x128xf32, #tpu.memory_space<vmem>>, vector<1x16xf32>,
        %parallel_loop3A_248 = vector.shape_cast %parallel_loop3A_247 : vector<1x16xf32> to vector<16xf32>
        %parallel_loop3A_249 = vector.shape_cast %parallel_loop3A_232 : vector<16xf32> to vector<1x16xf32>
        tpu.vector_store %arg9[%parallel_loop3A_245, %parallel_loop3A_246], %parallel_loop3A_249 {strides = array<i32>} : memref<80x128xf32, #tpu.memory_space<vmem>>, vector<1x16xf32>,
        %parallel_loop3A_250 = arith.index_cast %parallel_loop3A_210 : i32 to index
        %parallel_loop3A_251 = arith.constant 112 : index
        %parallel_loop3A_252 = tpu.vector_load %arg9[%parallel_loop3A_250, %parallel_loop3A_251] {strides = array<i32>} : memref<80x128xf32, #tpu.memory_space<vmem>>, vector<1x16xf32>,
        %parallel_loop3A_253 = vector.shape_cast %parallel_loop3A_252 : vector<1x16xf32> to vector<16xf32>
        %parallel_loop3A_254 = vector.shape_cast %parallel_loop3A_234 : vector<16xf32> to vector<1x16xf32>
        tpu.vector_store %arg9[%parallel_loop3A_250, %parallel_loop3A_251], %parallel_loop3A_254 {strides = array<i32>} : memref<80x128xf32, #tpu.memory_space<vmem>>, vector<1x16xf32>,
        %parallel_loop3A_255 = arith.mulf %parallel_loop3A_214, %parallel_loop3A_228 : vector<16xf32>
        %parallel_loop3A_256 = arith.index_cast %parallel_loop3A_210 : i32 to index
        %parallel_loop3A_257 = arith.constant 0 : index
        %parallel_loop3A_258 = tpu.vector_load %arg9[%parallel_loop3A_256, %parallel_loop3A_257] {strides = array<i32>} : memref<80x128xf32, #tpu.memory_space<vmem>>, vector<1x16xf32>,
        %parallel_loop3A_259 = vector.shape_cast %parallel_loop3A_258 : vector<1x16xf32> to vector<16xf32>
        %parallel_loop3A_260 = vector.shape_cast %parallel_loop3A_255 : vector<16xf32> to vector<1x16xf32>
        tpu.vector_store %arg9[%parallel_loop3A_256, %parallel_loop3A_257], %parallel_loop3A_260 {strides = array<i32>} : memref<80x128xf32, #tpu.memory_space<vmem>>, vector<1x16xf32>,
        %parallel_loop3A_261 = arith.mulf %parallel_loop3A_218, %parallel_loop3A_230 : vector<16xf32>
        %parallel_loop3A_262 = arith.index_cast %parallel_loop3A_210 : i32 to index
        %parallel_loop3A_263 = arith.constant 16 : index
        %parallel_loop3A_264 = tpu.vector_load %arg9[%parallel_loop3A_262, %parallel_loop3A_263] {strides = array<i32>} : memref<80x128xf32, #tpu.memory_space<vmem>>, vector<1x16xf32>,
        %parallel_loop3A_265 = vector.shape_cast %parallel_loop3A_264 : vector<1x16xf32> to vector<16xf32>
        %parallel_loop3A_266 = vector.shape_cast %parallel_loop3A_261 : vector<16xf32> to vector<1x16xf32>
        tpu.vector_store %arg9[%parallel_loop3A_262, %parallel_loop3A_263], %parallel_loop3A_266 {strides = array<i32>} : memref<80x128xf32, #tpu.memory_space<vmem>>, vector<1x16xf32>,
        %parallel_loop3A_267 = arith.mulf %parallel_loop3A_222, %parallel_loop3A_232 : vector<16xf32>
        %parallel_loop3A_268 = arith.index_cast %parallel_loop3A_210 : i32 to index
        %parallel_loop3A_269 = arith.constant 32 : index
        %parallel_loop3A_270 = tpu.vector_load %arg9[%parallel_loop3A_268, %parallel_loop3A_269] {strides = array<i32>} : memref<80x128xf32, #tpu.memory_space<vmem>>, vector<1x16xf32>,
        %parallel_loop3A_271 = vector.shape_cast %parallel_loop3A_270 : vector<1x16xf32> to vector<16xf32>
        %parallel_loop3A_272 = vector.shape_cast %parallel_loop3A_267 : vector<16xf32> to vector<1x16xf32>
        tpu.vector_store %arg9[%parallel_loop3A_268, %parallel_loop3A_269], %parallel_loop3A_272 {strides = array<i32>} : memref<80x128xf32, #tpu.memory_space<vmem>>, vector<1x16xf32>,
        %parallel_loop3A_273 = arith.mulf %parallel_loop3A_226, %parallel_loop3A_234 : vector<16xf32>
        %parallel_loop3A_274 = arith.index_cast %parallel_loop3A_210 : i32 to index
        %parallel_loop3A_275 = arith.constant 48 : index
        %parallel_loop3A_276 = tpu.vector_load %arg9[%parallel_loop3A_274, %parallel_loop3A_275] {strides = array<i32>} : memref<80x128xf32, #tpu.memory_space<vmem>>, vector<1x16xf32>,
        %parallel_loop3A_277 = vector.shape_cast %parallel_loop3A_276 : vector<1x16xf32> to vector<16xf32>
        %parallel_loop3A_278 = vector.shape_cast %parallel_loop3A_273 : vector<16xf32> to vector<1x16xf32>
        tpu.vector_store %arg9[%parallel_loop3A_274, %parallel_loop3A_275], %parallel_loop3A_278 {strides = array<i32>} : memref<80x128xf32, #tpu.memory_space<vmem>>, vector<1x16xf32>,
      } {sc.loop_unroll_factor = 4 : i64, sc.parallel_access}
      %get3A_172 = arith.constant 0 : index
      %get3A_173 = tpu.vector_load %arg11[%get3A_172] {strides = array<i32>} : memref<80xi32, #tpu.memory_space<vmem>>, vector<16xi32>,
      %get3A_174 = vector.shape_cast %get3A_173 : vector<16xi32> to vector<16xi32>
      %swap3A_175 = arith.constant 0 : index
      %swap3A_176 = tpu.vector_load %arg13[%swap3A_175] {strides = array<i32>} : memref<80xi32, #tpu.memory_space<vmem>>, vector<16xi32>,
      %swap3A_177 = vector.shape_cast %swap3A_176 : vector<16xi32> to vector<16xi32>
      %swap3A_178 = vector.shape_cast %get3A_174 : vector<16xi32> to vector<16xi32>
      tpu.vector_store %arg13[%swap3A_175], %swap3A_178 {strides = array<i32>} : memref<80xi32, #tpu.memory_space<vmem>>, vector<16xi32>,
      %get3A_179 = arith.constant 16 : index
      %get3A_180 = tpu.vector_load %arg11[%get3A_179] {strides = array<i32>} : memref<80xi32, #tpu.memory_space<vmem>>, vector<16xi32>,
      %get3A_181 = vector.shape_cast %get3A_180 : vector<16xi32> to vector<16xi32>
      %swap3A_182 = arith.constant 16 : index
      %swap3A_183 = tpu.vector_load %arg13[%swap3A_182] {strides = array<i32>} : memref<80xi32, #tpu.memory_space<vmem>>, vector<16xi32>,
      %swap3A_184 = vector.shape_cast %swap3A_183 : vector<16xi32> to vector<16xi32>
      %swap3A_185 = vector.shape_cast %get3A_181 : vector<16xi32> to vector<16xi32>
      tpu.vector_store %arg13[%swap3A_182], %swap3A_185 {strides = array<i32>} : memref<80xi32, #tpu.memory_space<vmem>>, vector<16xi32>,
      %get3A_186 = arith.constant 32 : index
      %get3A_187 = tpu.vector_load %arg11[%get3A_186] {strides = array<i32>} : memref<80xi32, #tpu.memory_space<vmem>>, vector<16xi32>,
      %get3A_188 = vector.shape_cast %get3A_187 : vector<16xi32> to vector<16xi32>
      %swap3A_189 = arith.constant 32 : index
      %swap3A_190 = tpu.vector_load %arg13[%swap3A_189] {strides = array<i32>} : memref<80xi32, #tpu.memory_space<vmem>>, vector<16xi32>,
      %swap3A_191 = vector.shape_cast %swap3A_190 : vector<16xi32> to vector<16xi32>
      %swap3A_192 = vector.shape_cast %get3A_188 : vector<16xi32> to vector<16xi32>
      tpu.vector_store %arg13[%swap3A_189], %swap3A_192 {strides = array<i32>} : memref<80xi32, #tpu.memory_space<vmem>>, vector<16xi32>,
      %get3A_193 = arith.constant 48 : index
      %get3A_194 = tpu.vector_load %arg11[%get3A_193] {strides = array<i32>} : memref<80xi32, #tpu.memory_space<vmem>>, vector<16xi32>,
      %get3A_195 = vector.shape_cast %get3A_194 : vector<16xi32> to vector<16xi32>
      %swap3A_196 = arith.constant 48 : index
      %swap3A_197 = tpu.vector_load %arg13[%swap3A_196] {strides = array<i32>} : memref<80xi32, #tpu.memory_space<vmem>>, vector<16xi32>,
      %swap3A_198 = vector.shape_cast %swap3A_197 : vector<16xi32> to vector<16xi32>
      %swap3A_199 = vector.shape_cast %get3A_195 : vector<16xi32> to vector<16xi32>
      tpu.vector_store %arg13[%swap3A_196], %swap3A_199 {strides = array<i32>} : memref<80xi32, #tpu.memory_space<vmem>>, vector<16xi32>,
      %get3A_200 = arith.constant 64 : index
      %get3A_201 = tpu.vector_load %arg11[%get3A_200] {strides = array<i32>} : memref<80xi32, #tpu.memory_space<vmem>>, vector<16xi32>,
      %get3A_202 = vector.shape_cast %get3A_201 : vector<16xi32> to vector<16xi32>
      %swap3A_203 = arith.constant 64 : index
      %swap3A_204 = tpu.vector_load %arg13[%swap3A_203] {strides = array<i32>} : memref<80xi32, #tpu.memory_space<vmem>>, vector<16xi32>,
      %swap3A_205 = vector.shape_cast %swap3A_204 : vector<16xi32> to vector<16xi32>
      %swap3A_206 = vector.shape_cast %get3A_202 : vector<16xi32> to vector<16xi32>
      tpu.vector_store %arg13[%swap3A_203], %swap3A_206 {strides = array<i32>} : memref<80xi32, #tpu.memory_space<vmem>>, vector<16xi32>,
      %dma_start3A_207 = arith.constant 0 : i32
      %dma_start3A_208 = arith.constant 0 : i32
      %dma_start3A_209 = tpu.memref_slice %arg23[%dma_start3A_207, %dma_start3A_208] : memref<10000x128xf32, #tpu.memory_space<vmem_shared>> -> memref<10000x128xf32, #tpu.memory_space<vmem_shared>>
      tpu.enqueue_indirect_dma source(%arg9 : memref<80x128xf32, #tpu.memory_space<vmem>>) target(%dma_start3A_209 : memref<10000x128xf32, #tpu.memory_space<vmem_shared>>) offsets(%arg13 : memref<80xi32, #tpu.memory_space<vmem>>) semaphore(%arg22 : memref<!tpu.dma_semaphore, #tpu.memory_space<semaphore_mem>>) {add = true}
    }
    %scan3A_68 = arith.constant 125 : i32
    %dma_wait3A = arith.constant 0 : i32
    %dma_wait3A_69 = arith.constant 0 : i32
    %dma_wait3A_70 = tpu.memref_slice %arg23[%dma_wait3A, %dma_wait3A_69] : memref<10000x128xf32, #tpu.memory_space<vmem_shared>> -> memref<10000x128xf32, #tpu.memory_space<vmem_shared>>
    tpu.wait_indirect_dma semaphore(%arg21 : memref<!tpu.dma_semaphore, #tpu.memory_space<semaphore_mem>>) src(%arg8 : memref<80x128xf32, #tpu.memory_space<vmem>>) dst(%dma_wait3A_70 : memref<10000x128xf32, #tpu.memory_space<vmem_shared>>)
    %dma_wait3A_71 = arith.constant 0 : i32
    %dma_wait3A_72 = arith.constant 0 : i32
    %dma_wait3A_73 = tpu.memref_slice %arg23[%dma_wait3A_71, %dma_wait3A_72] : memref<10000x128xf32, #tpu.memory_space<vmem_shared>> -> memref<10000x128xf32, #tpu.memory_space<vmem_shared>>
    tpu.wait_indirect_dma semaphore(%arg22 : memref<!tpu.dma_semaphore, #tpu.memory_space<semaphore_mem>>) src(%arg9 : memref<80x128xf32, #tpu.memory_space<vmem>>) dst(%dma_wait3A_73 : memref<10000x128xf32, #tpu.memory_space<vmem_shared>>)
    %barrier3A_74 = arith.constant 0 : index
    tpu.barrier barrier_id(%barrier3A_74)
    %while3A_75 = arith.constant 0 : i32
    %while3A_76 = arith.subi %select_n3A_51, %select_n3A : i32
    %while3A_77 = arith.addi %select_n3A, %while3A_76 : i32
    %while3A_78 = arith.constant 1 : i32
    %while3A_79 = arith.divsi %while3A_76, %while3A_78 : i32
    %while3A_80 = arith.muli %while3A_79, %while3A_78 : i32
    %while3A_81 = arith.addi %select_n3A, %while3A_80 : i32
    %while3A_82 = arith.constant 1 : i32
    scf.for %while3A_84 = %select_n3A to %while3A_81 step %while3A_82  : i32 {
      %mul3A_85 = arith.constant 80 : i32
      %mul3A_86 = arith.muli %while3A_84, %mul3A_85 : i32
      "tpu.region"() ({
        %run_scoped3A = tpu.sem_alloc : memref<!tpu.dma_semaphore, #tpu.memory_space<semaphore_mem>>
        %dma_start3A_90 = arith.constant 0 : i32
        %dma_start3A_91 = tpu.memref_slice %arg23[%mul3A_86, %dma_start3A_90] : memref<10000x128xf32, #tpu.memory_space<vmem_shared>> -> memref<80x128xf32, #tpu.memory_space<vmem_shared>>
        %dma_start3A_92 = arith.constant 0 : i32
        %dma_start3A_93 = tpu.memref_slice %arg23[%mul3A_86, %dma_start3A_92] : memref<10000x128xf32, #tpu.memory_space<vmem_shared>> -> memref<80x128xf32, #tpu.memory_space<vmem_shared>>
        tpu.enqueue_dma source(%dma_start3A_93 : memref<80x128xf32, #tpu.memory_space<vmem_shared>>) target(%arg14 : memref<80x128xf32, #tpu.memory_space<vmem>>) target_semaphore(%run_scoped3A : memref<!tpu.dma_semaphore, #tpu.memory_space<semaphore_mem>>)
        %dma_wait3A_94 = arith.constant 0 : i32
        %dma_wait3A_95 = tpu.memref_slice %arg23[%mul3A_86, %dma_wait3A_94] : memref<10000x128xf32, #tpu.memory_space<vmem_shared>> -> memref<80x128xf32, #tpu.memory_space<vmem_shared>>
        %dma_wait3A_96 = arith.constant 0 : i32
        %dma_wait3A_97 = tpu.memref_slice %arg23[%mul3A_86, %dma_wait3A_96] : memref<10000x128xf32, #tpu.memory_space<vmem_shared>> -> memref<80x128xf32, #tpu.memory_space<vmem_shared>>
        tpu.wait_dma2 semaphore(%run_scoped3A : memref<!tpu.dma_semaphore, #tpu.memory_space<semaphore_mem>>) src(%dma_wait3A_97 : memref<80x128xf32, #tpu.memory_space<vmem_shared>>) dst(%arg14 : memref<80x128xf32, #tpu.memory_space<vmem>>)
        tpu.yield
      }) : () -> ()
      %parallel_loop3A_87 = arith.constant 0 : i32
      %parallel_loop3A_88 = arith.constant 80 : i32
      %parallel_loop3A_89 = arith.constant 1 : i32
      scf.for %parallel_loop3A_90 = %parallel_loop3A_87 to %parallel_loop3A_88 step %parallel_loop3A_89  : i32 {
        %parallel_loop3A_91 = arith.index_cast %parallel_loop3A_90 : i32 to index
        %parallel_loop3A_92 = arith.constant 0 : index
        %parallel_loop3A_93 = tpu.vector_load %arg14[%parallel_loop3A_91, %parallel_loop3A_92] {strides = array<i32>} : memref<80x128xf32, #tpu.memory_space<vmem>>, vector<1x16xf32>,
        %parallel_loop3A_94 = vector.shape_cast %parallel_loop3A_93 : vector<1x16xf32> to vector<16xf32>
        %parallel_loop3A_95 = arith.index_cast %parallel_loop3A_90 : i32 to index
        %parallel_loop3A_96 = arith.constant 16 : index
        %parallel_loop3A_97 = tpu.vector_load %arg14[%parallel_loop3A_95, %parallel_loop3A_96] {strides = array<i32>} : memref<80x128xf32, #tpu.memory_space<vmem>>, vector<1x16xf32>,
        %parallel_loop3A_98 = vector.shape_cast %parallel_loop3A_97 : vector<1x16xf32> to vector<16xf32>
        %parallel_loop3A_99 = arith.index_cast %parallel_loop3A_90 : i32 to index
        %parallel_loop3A_100 = arith.constant 32 : index
        %parallel_loop3A_101 = tpu.vector_load %arg14[%parallel_loop3A_99, %parallel_loop3A_100] {strides = array<i32>} : memref<80x128xf32, #tpu.memory_space<vmem>>, vector<1x16xf32>,
        %parallel_loop3A_102 = vector.shape_cast %parallel_loop3A_101 : vector<1x16xf32> to vector<16xf32>
        %parallel_loop3A_103 = arith.index_cast %parallel_loop3A_90 : i32 to index
        %parallel_loop3A_104 = arith.constant 48 : index
        %parallel_loop3A_105 = tpu.vector_load %arg14[%parallel_loop3A_103, %parallel_loop3A_104] {strides = array<i32>} : memref<80x128xf32, #tpu.memory_space<vmem>>, vector<1x16xf32>,
        %parallel_loop3A_106 = vector.shape_cast %parallel_loop3A_105 : vector<1x16xf32> to vector<16xf32>
        %parallel_loop3A_107 = arith.index_cast %parallel_loop3A_90 : i32 to index
        %parallel_loop3A_108 = arith.constant 64 : index
        %parallel_loop3A_109 = tpu.vector_load %arg14[%parallel_loop3A_107, %parallel_loop3A_108] {strides = array<i32>} : memref<80x128xf32, #tpu.memory_space<vmem>>, vector<1x16xf32>,
        %parallel_loop3A_110 = vector.shape_cast %parallel_loop3A_109 : vector<1x16xf32> to vector<16xf32>
        %parallel_loop3A_111 = arith.index_cast %parallel_loop3A_90 : i32 to index
        %parallel_loop3A_112 = arith.constant 80 : index
        %parallel_loop3A_113 = tpu.vector_load %arg14[%parallel_loop3A_111, %parallel_loop3A_112] {strides = array<i32>} : memref<80x128xf32, #tpu.memory_space<vmem>>, vector<1x16xf32>,
        %parallel_loop3A_114 = vector.shape_cast %parallel_loop3A_113 : vector<1x16xf32> to vector<16xf32>
        %parallel_loop3A_115 = arith.index_cast %parallel_loop3A_90 : i32 to index
        %parallel_loop3A_116 = arith.constant 96 : index
        %parallel_loop3A_117 = tpu.vector_load %arg14[%parallel_loop3A_115, %parallel_loop3A_116] {strides = array<i32>} : memref<80x128xf32, #tpu.memory_space<vmem>>, vector<1x16xf32>,
        %parallel_loop3A_118 = vector.shape_cast %parallel_loop3A_117 : vector<1x16xf32> to vector<16xf32>
        %parallel_loop3A_119 = arith.index_cast %parallel_loop3A_90 : i32 to index
        %parallel_loop3A_120 = arith.constant 112 : index
        %parallel_loop3A_121 = tpu.vector_load %arg14[%parallel_loop3A_119, %parallel_loop3A_120] {strides = array<i32>} : memref<80x128xf32, #tpu.memory_space<vmem>>, vector<1x16xf32>,
        %parallel_loop3A_122 = vector.shape_cast %parallel_loop3A_121 : vector<1x16xf32> to vector<16xf32>
        %parallel_loop3A_123 = arith.constant 0.000000e+00 : f32
        %parallel_loop3A_124 = vector.broadcast %parallel_loop3A_123 : f32 to vector<16xf32>
        %parallel_loop3A_125 = arith.cmpf one, %parallel_loop3A_110, %parallel_loop3A_124 : vector<16xf32>
        %parallel_loop3A_126 = arith.divf %parallel_loop3A_94, %parallel_loop3A_110 : vector<16xf32>
        %parallel_loop3A_127 = arith.constant 0.000000e+00 : f32
        %parallel_loop3A_128 = vector.broadcast %parallel_loop3A_127 : f32 to vector<16xf32>
        %parallel_loop3A_129 = arith.select %parallel_loop3A_125, %parallel_loop3A_126, %parallel_loop3A_128 : vector<16xi1>, vector<16xf32>
        %parallel_loop3A_130 = arith.constant 0.000000e+00 : f32
        %parallel_loop3A_131 = vector.broadcast %parallel_loop3A_130 : f32 to vector<16xf32>
        %parallel_loop3A_132 = arith.cmpf one, %parallel_loop3A_114, %parallel_loop3A_131 : vector<16xf32>
        %parallel_loop3A_133 = arith.divf %parallel_loop3A_98, %parallel_loop3A_114 : vector<16xf32>
        %parallel_loop3A_134 = arith.constant 0.000000e+00 : f32
        %parallel_loop3A_135 = vector.broadcast %parallel_loop3A_134 : f32 to vector<16xf32>
        %parallel_loop3A_136 = arith.select %parallel_loop3A_132, %parallel_loop3A_133, %parallel_loop3A_135 : vector<16xi1>, vector<16xf32>
        %parallel_loop3A_137 = arith.constant 0.000000e+00 : f32
        %parallel_loop3A_138 = vector.broadcast %parallel_loop3A_137 : f32 to vector<16xf32>
        %parallel_loop3A_139 = arith.cmpf one, %parallel_loop3A_118, %parallel_loop3A_138 : vector<16xf32>
        %parallel_loop3A_140 = arith.divf %parallel_loop3A_102, %parallel_loop3A_118 : vector<16xf32>
        %parallel_loop3A_141 = arith.constant 0.000000e+00 : f32
        %parallel_loop3A_142 = vector.broadcast %parallel_loop3A_141 : f32 to vector<16xf32>
        %parallel_loop3A_143 = arith.select %parallel_loop3A_139, %parallel_loop3A_140, %parallel_loop3A_142 : vector<16xi1>, vector<16xf32>
        %parallel_loop3A_144 = arith.constant 0.000000e+00 : f32
        %parallel_loop3A_145 = vector.broadcast %parallel_loop3A_144 : f32 to vector<16xf32>
        %parallel_loop3A_146 = arith.cmpf one, %parallel_loop3A_122, %parallel_loop3A_145 : vector<16xf32>
        %parallel_loop3A_147 = arith.divf %parallel_loop3A_106, %parallel_loop3A_122 : vector<16xf32>
        %parallel_loop3A_148 = arith.constant 0.000000e+00 : f32
        %parallel_loop3A_149 = vector.broadcast %parallel_loop3A_148 : f32 to vector<16xf32>
        %parallel_loop3A_150 = arith.select %parallel_loop3A_146, %parallel_loop3A_147, %parallel_loop3A_149 : vector<16xi1>, vector<16xf32>
        %parallel_loop3A_151 = arith.index_cast %parallel_loop3A_90 : i32 to index
        %parallel_loop3A_152 = arith.constant 0 : index
        %parallel_loop3A_153 = tpu.vector_load %arg15[%parallel_loop3A_151, %parallel_loop3A_152] {strides = array<i32>} : memref<80x64xf32, #tpu.memory_space<vmem>>, vector<1x16xf32>,
        %parallel_loop3A_154 = vector.shape_cast %parallel_loop3A_153 : vector<1x16xf32> to vector<16xf32>
        %parallel_loop3A_155 = vector.shape_cast %parallel_loop3A_129 : vector<16xf32> to vector<1x16xf32>
        tpu.vector_store %arg15[%parallel_loop3A_151, %parallel_loop3A_152], %parallel_loop3A_155 {strides = array<i32>} : memref<80x64xf32, #tpu.memory_space<vmem>>, vector<1x16xf32>,
        %parallel_loop3A_156 = arith.index_cast %parallel_loop3A_90 : i32 to index
        %parallel_loop3A_157 = arith.constant 16 : index
        %parallel_loop3A_158 = tpu.vector_load %arg15[%parallel_loop3A_156, %parallel_loop3A_157] {strides = array<i32>} : memref<80x64xf32, #tpu.memory_space<vmem>>, vector<1x16xf32>,
        %parallel_loop3A_159 = vector.shape_cast %parallel_loop3A_158 : vector<1x16xf32> to vector<16xf32>
        %parallel_loop3A_160 = vector.shape_cast %parallel_loop3A_136 : vector<16xf32> to vector<1x16xf32>
        tpu.vector_store %arg15[%parallel_loop3A_156, %parallel_loop3A_157], %parallel_loop3A_160 {strides = array<i32>} : memref<80x64xf32, #tpu.memory_space<vmem>>, vector<1x16xf32>,
        %parallel_loop3A_161 = arith.index_cast %parallel_loop3A_90 : i32 to index
        %parallel_loop3A_162 = arith.constant 32 : index
        %parallel_loop3A_163 = tpu.vector_load %arg15[%parallel_loop3A_161, %parallel_loop3A_162] {strides = array<i32>} : memref<80x64xf32, #tpu.memory_space<vmem>>, vector<1x16xf32>,
        %parallel_loop3A_164 = vector.shape_cast %parallel_loop3A_163 : vector<1x16xf32> to vector<16xf32>
        %parallel_loop3A_165 = vector.shape_cast %parallel_loop3A_143 : vector<16xf32> to vector<1x16xf32>
        tpu.vector_store %arg15[%parallel_loop3A_161, %parallel_loop3A_162], %parallel_loop3A_165 {strides = array<i32>} : memref<80x64xf32, #tpu.memory_space<vmem>>, vector<1x16xf32>,
        %parallel_loop3A_166 = arith.index_cast %parallel_loop3A_90 : i32 to index
        %parallel_loop3A_167 = arith.constant 48 : index
        %parallel_loop3A_168 = tpu.vector_load %arg15[%parallel_loop3A_166, %parallel_loop3A_167] {strides = array<i32>} : memref<80x64xf32, #tpu.memory_space<vmem>>, vector<1x16xf32>,
        %parallel_loop3A_169 = vector.shape_cast %parallel_loop3A_168 : vector<1x16xf32> to vector<16xf32>
        %parallel_loop3A_170 = vector.shape_cast %parallel_loop3A_150 : vector<16xf32> to vector<1x16xf32>
        tpu.vector_store %arg15[%parallel_loop3A_166, %parallel_loop3A_167], %parallel_loop3A_170 {strides = array<i32>} : memref<80x64xf32, #tpu.memory_space<vmem>>, vector<1x16xf32>,
      } {sc.loop_unroll_factor = 4 : i64, sc.parallel_access}
      "tpu.region"() ({
        %run_scoped3A = tpu.sem_alloc : memref<!tpu.dma_semaphore, #tpu.memory_space<semaphore_mem>>
        %dma_start3A_90 = tpu.memref_slice %arg5[%mul3A_86, %mul3A_0] : memref<10000x128xf32, #tpu.memory_space<hbm>> -> memref<80x64xf32, #tpu.memory_space<hbm>>
        %dma_start3A_91 = tpu.memref_slice %arg5[%mul3A_86, %mul3A_0] : memref<10000x128xf32, #tpu.memory_space<hbm>> -> memref<80x64xf32, #tpu.memory_space<hbm>>
        tpu.enqueue_dma source(%arg15 : memref<80x64xf32, #tpu.memory_space<vmem>>) target(%dma_start3A_91 : memref<80x64xf32, #tpu.memory_space<hbm>>) target_semaphore(%run_scoped3A : memref<!tpu.dma_semaphore, #tpu.memory_space<semaphore_mem>>)
        %dma_wait3A_92 = tpu.memref_slice %arg5[%mul3A_86, %mul3A_0] : memref<10000x128xf32, #tpu.memory_space<hbm>> -> memref<80x64xf32, #tpu.memory_space<hbm>>
        %dma_wait3A_93 = tpu.memref_slice %arg5[%mul3A_86, %mul3A_0] : memref<10000x128xf32, #tpu.memory_space<hbm>> -> memref<80x64xf32, #tpu.memory_space<hbm>>
        tpu.wait_dma2 semaphore(%run_scoped3A : memref<!tpu.dma_semaphore, #tpu.memory_space<semaphore_mem>>) src(%arg15 : memref<80x64xf32, #tpu.memory_space<vmem>>) dst(%dma_wait3A_93 : memref<80x64xf32, #tpu.memory_space<hbm>>)
        tpu.yield
      }) : () -> ()
    }
    %while3A_83 = arith.constant 1 : i32
    scf.for %while3A_84 = %while3A_81 to %while3A_77 step %while3A_83  : i32 {
      %mul3A_85 = arith.constant 80 : i32
      %mul3A_86 = arith.muli %while3A_84, %mul3A_85 : i32
      "tpu.region"() ({
        %run_scoped3A = tpu.sem_alloc : memref<!tpu.dma_semaphore, #tpu.memory_space<semaphore_mem>>
        %dma_start3A_90 = arith.constant 0 : i32
        %dma_start3A_91 = tpu.memref_slice %arg23[%mul3A_86, %dma_start3A_90] : memref<10000x128xf32, #tpu.memory_space<vmem_shared>> -> memref<80x128xf32, #tpu.memory_space<vmem_shared>>
        %dma_start3A_92 = arith.constant 0 : i32
        %dma_start3A_93 = tpu.memref_slice %arg23[%mul3A_86, %dma_start3A_92] : memref<10000x128xf32, #tpu.memory_space<vmem_shared>> -> memref<80x128xf32, #tpu.memory_space<vmem_shared>>
        tpu.enqueue_dma source(%dma_start3A_93 : memref<80x128xf32, #tpu.memory_space<vmem_shared>>) target(%arg14 : memref<80x128xf32, #tpu.memory_space<vmem>>) target_semaphore(%run_scoped3A : memref<!tpu.dma_semaphore, #tpu.memory_space<semaphore_mem>>)
        %dma_wait3A_94 = arith.constant 0 : i32
        %dma_wait3A_95 = tpu.memref_slice %arg23[%mul3A_86, %dma_wait3A_94] : memref<10000x128xf32, #tpu.memory_space<vmem_shared>> -> memref<80x128xf32, #tpu.memory_space<vmem_shared>>
        %dma_wait3A_96 = arith.constant 0 : i32
        %dma_wait3A_97 = tpu.memref_slice %arg23[%mul3A_86, %dma_wait3A_96] : memref<10000x128xf32, #tpu.memory_space<vmem_shared>> -> memref<80x128xf32, #tpu.memory_space<vmem_shared>>
        tpu.wait_dma2 semaphore(%run_scoped3A : memref<!tpu.dma_semaphore, #tpu.memory_space<semaphore_mem>>) src(%dma_wait3A_97 : memref<80x128xf32, #tpu.memory_space<vmem_shared>>) dst(%arg14 : memref<80x128xf32, #tpu.memory_space<vmem>>)
        tpu.yield
      }) : () -> ()
      %parallel_loop3A_87 = arith.constant 0 : i32
      %parallel_loop3A_88 = arith.constant 80 : i32
      %parallel_loop3A_89 = arith.constant 1 : i32
      scf.for %parallel_loop3A_90 = %parallel_loop3A_87 to %parallel_loop3A_88 step %parallel_loop3A_89  : i32 {
        %parallel_loop3A_91 = arith.index_cast %parallel_loop3A_90 : i32 to index
        %parallel_loop3A_92 = arith.constant 0 : index
        %parallel_loop3A_93 = tpu.vector_load %arg14[%parallel_loop3A_91, %parallel_loop3A_92] {strides = array<i32>} : memref<80x128xf32, #tpu.memory_space<vmem>>, vector<1x16xf32>,
        %parallel_loop3A_94 = vector.shape_cast %parallel_loop3A_93 : vector<1x16xf32> to vector<16xf32>
        %parallel_loop3A_95 = arith.index_cast %parallel_loop3A_90 : i32 to index
        %parallel_loop3A_96 = arith.constant 16 : index
        %parallel_loop3A_97 = tpu.vector_load %arg14[%parallel_loop3A_95, %parallel_loop3A_96] {strides = array<i32>} : memref<80x128xf32, #tpu.memory_space<vmem>>, vector<1x16xf32>,
        %parallel_loop3A_98 = vector.shape_cast %parallel_loop3A_97 : vector<1x16xf32> to vector<16xf32>
        %parallel_loop3A_99 = arith.index_cast %parallel_loop3A_90 : i32 to index
        %parallel_loop3A_100 = arith.constant 32 : index
        %parallel_loop3A_101 = tpu.vector_load %arg14[%parallel_loop3A_99, %parallel_loop3A_100] {strides = array<i32>} : memref<80x128xf32, #tpu.memory_space<vmem>>, vector<1x16xf32>,
        %parallel_loop3A_102 = vector.shape_cast %parallel_loop3A_101 : vector<1x16xf32> to vector<16xf32>
        %parallel_loop3A_103 = arith.index_cast %parallel_loop3A_90 : i32 to index
        %parallel_loop3A_104 = arith.constant 48 : index
        %parallel_loop3A_105 = tpu.vector_load %arg14[%parallel_loop3A_103, %parallel_loop3A_104] {strides = array<i32>} : memref<80x128xf32, #tpu.memory_space<vmem>>, vector<1x16xf32>,
        %parallel_loop3A_106 = vector.shape_cast %parallel_loop3A_105 : vector<1x16xf32> to vector<16xf32>
        %parallel_loop3A_107 = arith.index_cast %parallel_loop3A_90 : i32 to index
        %parallel_loop3A_108 = arith.constant 64 : index
        %parallel_loop3A_109 = tpu.vector_load %arg14[%parallel_loop3A_107, %parallel_loop3A_108] {strides = array<i32>} : memref<80x128xf32, #tpu.memory_space<vmem>>, vector<1x16xf32>,
        %parallel_loop3A_110 = vector.shape_cast %parallel_loop3A_109 : vector<1x16xf32> to vector<16xf32>
        %parallel_loop3A_111 = arith.index_cast %parallel_loop3A_90 : i32 to index
        %parallel_loop3A_112 = arith.constant 80 : index
        %parallel_loop3A_113 = tpu.vector_load %arg14[%parallel_loop3A_111, %parallel_loop3A_112] {strides = array<i32>} : memref<80x128xf32, #tpu.memory_space<vmem>>, vector<1x16xf32>,
        %parallel_loop3A_114 = vector.shape_cast %parallel_loop3A_113 : vector<1x16xf32> to vector<16xf32>
        %parallel_loop3A_115 = arith.index_cast %parallel_loop3A_90 : i32 to index
        %parallel_loop3A_116 = arith.constant 96 : index
        %parallel_loop3A_117 = tpu.vector_load %arg14[%parallel_loop3A_115, %parallel_loop3A_116] {strides = array<i32>} : memref<80x128xf32, #tpu.memory_space<vmem>>, vector<1x16xf32>,
        %parallel_loop3A_118 = vector.shape_cast %parallel_loop3A_117 : vector<1x16xf32> to vector<16xf32>
        %parallel_loop3A_119 = arith.index_cast %parallel_loop3A_90 : i32 to index
        %parallel_loop3A_120 = arith.constant 112 : index
        %parallel_loop3A_121 = tpu.vector_load %arg14[%parallel_loop3A_119, %parallel_loop3A_120] {strides = array<i32>} : memref<80x128xf32, #tpu.memory_space<vmem>>, vector<1x16xf32>,
        %parallel_loop3A_122 = vector.shape_cast %parallel_loop3A_121 : vector<1x16xf32> to vector<16xf32>
        %parallel_loop3A_123 = arith.constant 0.000000e+00 : f32
        %parallel_loop3A_124 = vector.broadcast %parallel_loop3A_123 : f32 to vector<16xf32>
        %parallel_loop3A_125 = arith.cmpf one, %parallel_loop3A_110, %parallel_loop3A_124 : vector<16xf32>
        %parallel_loop3A_126 = arith.divf %parallel_loop3A_94, %parallel_loop3A_110 : vector<16xf32>
        %parallel_loop3A_127 = arith.constant 0.000000e+00 : f32
        %parallel_loop3A_128 = vector.broadcast %parallel_loop3A_127 : f32 to vector<16xf32>
        %parallel_loop3A_129 = arith.select %parallel_loop3A_125, %parallel_loop3A_126, %parallel_loop3A_128 : vector<16xi1>, vector<16xf32>
        %parallel_loop3A_130 = arith.constant 0.000000e+00 : f32
        %parallel_loop3A_131 = vector.broadcast %parallel_loop3A_130 : f32 to vector<16xf32>
        %parallel_loop3A_132 = arith.cmpf one, %parallel_loop3A_114, %parallel_loop3A_131 : vector<16xf32>
        %parallel_loop3A_133 = arith.divf %parallel_loop3A_98, %parallel_loop3A_114 : vector<16xf32>
        %parallel_loop3A_134 = arith.constant 0.000000e+00 : f32
        %parallel_loop3A_135 = vector.broadcast %parallel_loop3A_134 : f32 to vector<16xf32>
        %parallel_loop3A_136 = arith.select %parallel_loop3A_132, %parallel_loop3A_133, %parallel_loop3A_135 : vector<16xi1>, vector<16xf32>
        %parallel_loop3A_137 = arith.constant 0.000000e+00 : f32
        %parallel_loop3A_138 = vector.broadcast %parallel_loop3A_137 : f32 to vector<16xf32>
        %parallel_loop3A_139 = arith.cmpf one, %parallel_loop3A_118, %parallel_loop3A_138 : vector<16xf32>
        %parallel_loop3A_140 = arith.divf %parallel_loop3A_102, %parallel_loop3A_118 : vector<16xf32>
        %parallel_loop3A_141 = arith.constant 0.000000e+00 : f32
        %parallel_loop3A_142 = vector.broadcast %parallel_loop3A_141 : f32 to vector<16xf32>
        %parallel_loop3A_143 = arith.select %parallel_loop3A_139, %parallel_loop3A_140, %parallel_loop3A_142 : vector<16xi1>, vector<16xf32>
        %parallel_loop3A_144 = arith.constant 0.000000e+00 : f32
        %parallel_loop3A_145 = vector.broadcast %parallel_loop3A_144 : f32 to vector<16xf32>
        %parallel_loop3A_146 = arith.cmpf one, %parallel_loop3A_122, %parallel_loop3A_145 : vector<16xf32>
        %parallel_loop3A_147 = arith.divf %parallel_loop3A_106, %parallel_loop3A_122 : vector<16xf32>
        %parallel_loop3A_148 = arith.constant 0.000000e+00 : f32
        %parallel_loop3A_149 = vector.broadcast %parallel_loop3A_148 : f32 to vector<16xf32>
        %parallel_loop3A_150 = arith.select %parallel_loop3A_146, %parallel_loop3A_147, %parallel_loop3A_149 : vector<16xi1>, vector<16xf32>
        %parallel_loop3A_151 = arith.index_cast %parallel_loop3A_90 : i32 to index
        %parallel_loop3A_152 = arith.constant 0 : index
        %parallel_loop3A_153 = tpu.vector_load %arg15[%parallel_loop3A_151, %parallel_loop3A_152] {strides = array<i32>} : memref<80x64xf32, #tpu.memory_space<vmem>>, vector<1x16xf32>,
        %parallel_loop3A_154 = vector.shape_cast %parallel_loop3A_153 : vector<1x16xf32> to vector<16xf32>
        %parallel_loop3A_155 = vector.shape_cast %parallel_loop3A_129 : vector<16xf32> to vector<1x16xf32>
        tpu.vector_store %arg15[%parallel_loop3A_151, %parallel_loop3A_152], %parallel_loop3A_155 {strides = array<i32>} : memref<80x64xf32, #tpu.memory_space<vmem>>, vector<1x16xf32>,
        %parallel_loop3A_156 = arith.index_cast %parallel_loop3A_90 : i32 to index
        %parallel_loop3A_157 = arith.constant 16 : index
        %parallel_loop3A_158 = tpu.vector_load %arg15[%parallel_loop3A_156, %parallel_loop3A_157] {strides = array<i32>} : memref<80x64xf32, #tpu.memory_space<vmem>>, vector<1x16xf32>,
        %parallel_loop3A_159 = vector.shape_cast %parallel_loop3A_158 : vector<1x16xf32> to vector<16xf32>
        %parallel_loop3A_160 = vector.shape_cast %parallel_loop3A_136 : vector<16xf32> to vector<1x16xf32>
        tpu.vector_store %arg15[%parallel_loop3A_156, %parallel_loop3A_157], %parallel_loop3A_160 {strides = array<i32>} : memref<80x64xf32, #tpu.memory_space<vmem>>, vector<1x16xf32>,
        %parallel_loop3A_161 = arith.index_cast %parallel_loop3A_90 : i32 to index
        %parallel_loop3A_162 = arith.constant 32 : index
        %parallel_loop3A_163 = tpu.vector_load %arg15[%parallel_loop3A_161, %parallel_loop3A_162] {strides = array<i32>} : memref<80x64xf32, #tpu.memory_space<vmem>>, vector<1x16xf32>,
        %parallel_loop3A_164 = vector.shape_cast %parallel_loop3A_163 : vector<1x16xf32> to vector<16xf32>
        %parallel_loop3A_165 = vector.shape_cast %parallel_loop3A_143 : vector<16xf32> to vector<1x16xf32>
        tpu.vector_store %arg15[%parallel_loop3A_161, %parallel_loop3A_162], %parallel_loop3A_165 {strides = array<i32>} : memref<80x64xf32, #tpu.memory_space<vmem>>, vector<1x16xf32>,
        %parallel_loop3A_166 = arith.index_cast %parallel_loop3A_90 : i32 to index
        %parallel_loop3A_167 = arith.constant 48 : index
        %parallel_loop3A_168 = tpu.vector_load %arg15[%parallel_loop3A_166, %parallel_loop3A_167] {strides = array<i32>} : memref<80x64xf32, #tpu.memory_space<vmem>>, vector<1x16xf32>,
        %parallel_loop3A_169 = vector.shape_cast %parallel_loop3A_168 : vector<1x16xf32> to vector<16xf32>
        %parallel_loop3A_170 = vector.shape_cast %parallel_loop3A_150 : vector<16xf32> to vector<1x16xf32>
        tpu.vector_store %arg15[%parallel_loop3A_166, %parallel_loop3A_167], %parallel_loop3A_170 {strides = array<i32>} : memref<80x64xf32, #tpu.memory_space<vmem>>, vector<1x16xf32>,
      } {sc.loop_unroll_factor = 4 : i64, sc.parallel_access}
      "tpu.region"() ({
        %run_scoped3A = tpu.sem_alloc : memref<!tpu.dma_semaphore, #tpu.memory_space<semaphore_mem>>
        %dma_start3A_90 = tpu.memref_slice %arg5[%mul3A_86, %mul3A_0] : memref<10000x128xf32, #tpu.memory_space<hbm>> -> memref<80x64xf32, #tpu.memory_space<hbm>>
        %dma_start3A_91 = tpu.memref_slice %arg5[%mul3A_86, %mul3A_0] : memref<10000x128xf32, #tpu.memory_space<hbm>> -> memref<80x64xf32, #tpu.memory_space<hbm>>
        tpu.enqueue_dma source(%arg15 : memref<80x64xf32, #tpu.memory_space<vmem>>) target(%dma_start3A_91 : memref<80x64xf32, #tpu.memory_space<hbm>>) target_semaphore(%run_scoped3A : memref<!tpu.dma_semaphore, #tpu.memory_space<semaphore_mem>>)
        %dma_wait3A_92 = tpu.memref_slice %arg5[%mul3A_86, %mul3A_0] : memref<10000x128xf32, #tpu.memory_space<hbm>> -> memref<80x64xf32, #tpu.memory_space<hbm>>
        %dma_wait3A_93 = tpu.memref_slice %arg5[%mul3A_86, %mul3A_0] : memref<10000x128xf32, #tpu.memory_space<hbm>> -> memref<80x64xf32, #tpu.memory_space<hbm>>
        tpu.wait_dma2 semaphore(%run_scoped3A : memref<!tpu.dma_semaphore, #tpu.memory_space<semaphore_mem>>) src(%arg15 : memref<80x64xf32, #tpu.memory_space<vmem>>) dst(%dma_wait3A_93 : memref<80x64xf32, #tpu.memory_space<hbm>>)
        tpu.yield
      }) : () -> ()
    }
    return
  }
}

</mosaic_0001>

<sc_bundles>
// kernel: kernel.3.cloned.1.call-start
scs
__scs_entry_jumppad:
0x0: {  	(pc) =	sbr.rel $0x88, $3  }
0x1: {  	(tag) =	ssettag $0x0;
	lr =	simm.s32 $0x1  }
0x2: {  	[smem:$0x3F9D] =	sst lr;
	_ =	strace $0xD0000000  }
0x3: {  	_ = 	snop  }
0x4: {  	_ = 	snop  }
0x5: {  	_ = 	snop  }
0x6: {  	_ = 	snop  }
0x7: {  	_ = 	snop  }
__scs_overlays_trampoline_lowered:
0x8: {  	[smem:$0x3FAC] =	sst s0  }
0x9: {  	[smem:$0x3FAD] =	sst s1  }
0xa: {  	[smem:$0x3FAE] =	sst s2  }
0xb: {  	[smem:$0x3FAF] =	sst s3  }
0xc: {  	[smem:$0x3FB0] =	sst s4  }
0xd: {  	[smem:$0x3FB1] =	sst s5  }
0xe: {  	[smem:$0x3FB2] =	sst s6  }
0xf: {  	[smem:$0x3FB3] =	sst s7  }
0x10: {  	[smem:$0x3FB4] =	sst s8  }
0x11: {  	[smem:$0x3FB5] =	sst s9;
	s0 =	simm.s32 @!p0 $0x0  }
0x12: {  	s1 =	sld [smem:$0x3F9B];
	s0 =	simm.s32 @p0 $0x1  }
0x13: {  	[smem:$0x3FB6] =	sst s0;
	s0 =	simm.s32 @!p1 $0x0  }
0x14: {  	s2 =	sld [smem:$0x3F9A];
	s0 =	simm.s32 @p1 $0x1  }
0x15: {  	[smem:$0x3FB7] =	sst s0;
	s0 =	simm.s32 @!p2 $0x0  }
0x16: {  	s3 =	sld [smem:$0x3FDB];
	s0 =	simm.s32 @p2 $0x1  }
0x17: {  	s4 =	simm.s32 $0x1BF5;
	[smem:$0x3FB9] =	sst s0  }
0x18: {  	s0 =	sld [smem:$0x3F9C];
	_ =	swait.ge [sflag:s4], $0x0  }
0x19: {  	s7 =	sld [smem:$0x3F9D]  }
0x1a: {  	s8 =	sadd.s32 $0xFFFFE003, lr  }
0x1b: {  	s9 =	sadd.s32 $0xFFFFFEF7, lr;
	s5 =	simm.s32 $0xFFFFFFFF;
	p2 =	slt.u32 s8, $0xFFFFF086  }
0x1c: {  	p1 =	slt.u32 s9, $0xF7A;
	s5 =	simm.s32 @!p2 $0x0  }
0x1d: {  	s5 =	simm.s32 @p1 $0x1;
	p0 =	seq.s32 s7, s2  }
0x1e: {  	s7 =	smul.u32 @!p0 $0xF7A, s2;
	p2 =	seq.s32 @!p0 s5, $0x0  }
0x1f: {  	s9 =	smul.u32 $0xF7A, s1;
	s8 =	simm.s32 @!p0 $0x1BF5;
	p2 =	por !p2, p0  }
0x20: {  	[sflag:s8] =	ssyncset.s32 @!p0 $0xFFFFF086;
	s6 =	sadd.s32 @!p0 s3, s7;
	s7 =	simm.s32 @!p0 $0x108  }
0x21: {  	s3 =	sadd.s32 s3, s9;
	s6 =	sadd.s32 @!p0 $0x88, s6;
	s7 =	simm.s32 @p2 $0x1082  }
0x22: {  	[simem:s7], [sflag:s8] =	dma.local @!p0 [hbm:s6], $0xF7A  }
0x23: {  	s9 =	sor.u32 $0xD0000000, s2;
	s6 =	simm.s32 $0x108;
	_ =	swait.ge @!p0 [sflag:s8], $0x0  }
0x24: {  	s3 =	sadd.s32 $0x88, s3;
	s6 =	simm.s32 @!p1 $0x1082;
	[sflag:s4] =	ssyncset.s32 $0xFFFFF086  }
0x25: {  	[simem:s6], [sflag:s4] =	dma.local [hbm:s3], $0xF7A  }
0x26: {  	[smem:$0x3F9D] =	sst s1;
	(tag) =	ssettag s2;
	_ =	strace s9  }
0x27: {  	s1 =	sld [smem:$0x3FAD]  }
0x28: {  	s2 =	sld [smem:$0x3FAE]  }
0x29: {  	s4 =	sld [smem:$0x3FB0]  }
0x2a: {  	p0 =	seq.s32 s5, $0x0;
	s5 =	sld [smem:$0x3FB1]  }
0x2b: {  	s6 =	sld [smem:$0x3FB2]  }
0x2c: {  	s7 =	sld [smem:$0x3FB3]  }
0x2d: {  	s3 =	simm.s32 $0x108;
	s8 =	sld [smem:$0x3FB4]  }
0x2e: {  	s3 =	simm.s32 @!p0 $0x1082;
	s9 =	sld [smem:$0x3FB5]  }
0x2f: {  	lr =	sadd.s32 s0, s3;
	s0 =	sld [smem:$0x3FAC]  }
0x30: {  	s3 =	sld [smem:$0x3FAF]  }
0x31: {  	[smem:$0x3FB8] =	sst s10  }
0x32: {  	s10 =	sld [smem:$0x3FB6];
	_ =	sdelay $0x3  }
0x33: {  	p0 =	seq.s32 s10, $0x1;
	s10 =	sld [smem:$0x3FB8];
	_ =	sdelay $0x3  }
0x34: {  	[smem:$0x3FB8] =	sst s10  }
0x35: {  	s10 =	sld [smem:$0x3FB7];
	_ =	sdelay $0x3  }
0x36: {  	p1 =	seq.s32 s10, $0x1;
	s10 =	sld [smem:$0x3FB8];
	_ =	sdelay $0x3  }
0x37: {  	[smem:$0x3FB8] =	sst s10  }
0x38: {  	s10 =	sld [smem:$0x3FB9]  }
0x39: {  	_ = 	snop;
	(pc) =	sbr.ind lr, $3  }
0x3a: {  	_ = 	snop  }
0x3b: {  	_ = 	snop  }
0x3c: {  	p2 =	seq.s32 s10, $0x1;
	s10 =	sld [smem:$0x3FB8]  }
0x3d: {  	_ =	shalt  }
0x3e: {  	_ =	shalt  }
0x3f: {  	_ =	shalt  }
0x40: {  	_ =	shalt  }
0x41: {  	_ =	shalt  }
0x42: {  	_ =	shalt  }
0x43: {  	_ =	shalt  }
0x44: {  	_ =	shalt  }
0x45: {  	_ =	shalt  }
0x46: {  	_ =	shalt  }
0x47: {  	_ =	shalt  }
0x48: {  	_ =	shalt  }
0x49: {  	_ =	shalt  }
0x4a: {  	_ =	shalt  }
0x4b: {  	_ =	shalt  }
0x4c: {  	_ =	shalt  }
0x4d: {  	_ =	shalt  }
0x4e: {  	_ =	shalt  }
0x4f: {  	_ =	shalt  }
0x50: {  	_ =	shalt  }
0x51: {  	_ =	shalt  }
0x52: {  	_ =	shalt  }
0x53: {  	_ =	shalt  }
0x54: {  	_ =	shalt  }
0x55: {  	_ =	shalt  }
0x56: {  	_ =	shalt  }
0x57: {  	_ =	shalt  }
0x58: {  	_ =	shalt  }
0x59: {  	_ =	shalt  }
0x5a: {  	_ =	shalt  }
0x5b: {  	_ =	shalt  }
0x5c: {  	_ =	shalt  }
0x5d: {  	_ =	shalt  }
0x5e: {  	_ =	shalt  }
0x5f: {  	_ =	shalt  }
0x60: {  	_ =	shalt  }
0x61: {  	_ =	shalt  }
0x62: {  	_ =	shalt  }
0x63: {  	_ =	shalt  }
0x64: {  	_ =	shalt  }
0x65: {  	_ =	shalt  }
0x66: {  	_ =	shalt  }
0x67: {  	_ =	shalt  }
0x68: {  	_ =	shalt  }
0x69: {  	_ =	shalt  }
0x6a: {  	_ =	shalt  }
0x6b: {  	_ =	shalt  }
0x6c: {  	_ =	shalt  }
0x6d: {  	_ =	shalt  }
0x6e: {  	_ =	shalt  }
0x6f: {  	_ =	shalt  }
0x70: {  	_ =	shalt  }
0x71: {  	_ =	shalt  }
0x72: {  	_ =	shalt  }
0x73: {  	_ =	shalt  }
0x74: {  	_ =	shalt  }
0x75: {  	_ =	shalt  }
0x76: {  	_ =	shalt  }
0x77: {  	_ =	shalt  }
0x78: {  	_ =	shalt  }
0x79: {  	_ =	shalt  }
0x7a: {  	_ =	shalt  }
0x7b: {  	_ =	shalt  }
0x7c: {  	_ =	shalt  }
0x7d: {  	_ =	shalt  }
0x7e: {  	_ =	shalt  }
0x7f: {  	_ =	shalt  }
0x80: {  	_ =	shalt  }
0x81: {  	_ =	shalt  }
0x82: {  	_ =	shalt  }
0x83: {  	_ =	shalt  }
0x84: {  	_ =	shalt  }
0x85: {  	_ =	shalt  }
0x86: {  	_ =	shalt  }
0x87: {  	_ =	shalt  }
.Lfunc_end0:
.L_simem_size_0:
called_computation_lowered:
.L_overlay_start_0:
0x88: {  	s2 =	sld [smem:$0x3FD9]  }
0x89: {  	s3 =	sld [smem:$0x3FFE];
	_ =	sdelay $0x1  }
0x8a: {  	s1 =	srdreg.scid  }
0x8b: {  	s0 =	sand.u32 $0x1, s1  }
0x8c: {  	s17 =	sshll.u32 s0, $0xA;
	s2 =	sadd.s32 s3, s2  }
0x8d: {  	s2 =	sadd.s32 s2, s17  }
0x8e: {  	[smem:$0x3FC4] =	sst s2  }
0x8f: {  	_ = 	snop  }
0x90: {  	s2 =	sld [smem:$0x3FC9]  }
0x91: {  	s18 =	sld [smem:$0x3FC7]  }
0x92: {  	s4 =	sld [smem:$0x3FD0];
	(tm) =	ssettm $0x1  }
0x93: {  	s5 =	sld [smem:$0x3FFB];
	_ =	sdelay $0x3  }
0x94: {  	_ =	strace s5  }
0x95: {  	s5 =	sld [smem:$0x3FFC];
	_ =	sdelay $0x3  }
0x96: {  	_ =	strace s5  }
0x97: {  	s5 =	sld [smem:$0x3FFD];
	_ =	sdelay $0x3  }
0x98: {  	_ =	strace s5  }
0x99: {  	_ =	strace $0x8FFFFFFF  }
0x9a: {  	s19 =	sld [smem:$0x3FDB];
	_ =	sdelay $0x1  }
0x9b: {  	s6 =	simm.s32 $_scs_section_size  }
0x9c: {  	s7 =	simm.s32 $_size__tile_overlayer_lowered;
	s8 =	simm.s32 $_tile_overlayer_lowered  }
0x9d: {  	s22 =	simm.s32 $0x1BFF;
	s21 =	sshll.u32 s8, $0x1;
	s5 =	sadd.s32 s6, s19  }
0x9e: {  	s9 =	simm.s32 $0x0;
	s20 =	sshll.u32 s7, $0x1;
	s7 =	sadd.s32 s21, s5  }
0x9f: {  	[timem:s9], [sflag:s22] =	dma.local [hbm:s7], s20  }
0xa0: {  	_ =	swait.ge [sflag:s22], s20  }
0xa1: {  	s6 =	ssub.s32 $0x0, s20;
	[sflag:s22] =	ssyncset.done $0x0  }
0xa2: {  	[sflag:s22] =	ssyncadd.s32 s6;
	_ =	sdelay $0x1  }
0xa3: {  	s23 =	simm.s32 $0x1B8B  }
0xa4: {  	_ =	swait.ge [sflag:s23], $0x1  }
0xa5: {  	[sflag:s23] =	ssyncset.done $0x0  }
0xa6: {  	s25 =	simm.s32 $0x1B8E;
	s24 =	sld [smem:$0x3FFE];
	[sflag:s23] =	ssyncadd.s32 $0xFFFFFFFF  }
0xa7: {  	s26 =	simm.s32 $execute0_lowered;
	[smem:$0x3FD2] =	sst s25  }
0xa8: {  	s7 =	sshll.u32 s26, $0x1;
	_ =	strace $0x80000046;
	[dreg:$0x1] =	wrdreg $0xFFFFFFFF  }
0xa9: {  	s28 =	simm.s32 $_size_execute0_lowered;
	s5 =	sadd.s32 s5, s7;
	[dreg:$0x0] =	wrdreg $0x0  }
0xaa: {  	s7 =	sshll.u32 s28, $0x1;
	[dreg:$0x2] =	wrdreg s5  }
0xab: {  	[dreg:$0x3] =	wrdreg s7  }
0xac: {  	[dreg:$0x4] =	wrdreg $0xC0  }
0xad: {  	_ =	task [dreg:s9], $0x5FFFF  }
0xae: {  	[dreg:$0x1] =	wrdreg $0xFFFFFFFF  }
0xaf: {  	[dreg:$0x0] =	wrdreg $0x60  }
0xb0: {  	[dreg:$0x2] =	wrdreg s2  }
0xb1: {  	[dreg:$0x3] =	wrdreg s18  }
0xb2: {  	[dreg:$0x4] =	wrdreg s24  }
0xb3: {  	[dreg:$0x5] =	wrdreg s4  }
0xb4: {  	[dreg:$0x6] =	wrdreg $0xB5500  }
0xb5: {  	[dreg:$0x7] =	wrdreg $0x9  }
0xb6: {  	_ =	task.clear_ibuf [dreg:s9], $0x8FFFF;
	_ =	strace $0x90000046  }
0xb7: {  	s29 =	simm.s32 $0x9;
	_ =	strace $0x80000048  }
0xb8: {  	_ =	swait.ge [sflag:s29], $0x1  }
0xb9: {  	[sflag:s29] =	ssyncadd.s32 $0xFFFFFFFF  }
0xba: {  	_ =	strace $0x90000048  }
0xbb: {  	_ =	sfence  }
0xbc: {  	s30 =	sld [smem:$0x0];
	_ =	sdelay $0x2  }
0xbd: {  	s31 =	sshll.u32 s1, $0xD;
	s1 =	sshrl.u32 s1, $0x2  }
0xbe: {  	s3 =	sand.u32 $0x4000, s31;
	s1 =	sadd.s32 s1, s30  }
0xbf: {  	s0 =	sor.u32 s3, s0;
	s1 =	sshll.u32 s1, $0x11  }
0xc0: {  	s0 =	sor.u32 s1, s0  }
0xc1: {  	s0 =	sadd.s32 $0x8F2B, s0  }
0xc2: {  	[sflag:s0] =	ssyncadd.remote.s32 $0x1  }
0xc3: {  	_ =	sfence.sel $0xFFFF  }
0xc4: {  	[dreg:$0x0] =	wrdreg $0xFFFFFFFF;
	(pc) =	sbr.abs _section_cstart, $3  }
0xc5: {  	[dreg:$0x1] =	wrdreg $0xFFFFFFFF  }
0xc6: {  	_ =	task.clear_ibuf [dreg:s9], $0x2FFFF;
	_ =	strace $0x9FFFFFFF  }
0xc7: {  	(tm) =	ssettm $0x7FFFFFFF  }
tec
execute0_lowered:
.L_overlay_start_1:
0x0: {  	(tag) =	ssettag $0x1  }
0x1: {  	s1 =	rddreg [dreg:$0x0]  }
0x2: {  	s2 =	rddreg [dreg:$0x1]  }
0x3: {  	s0 =	rddreg [dreg:$0x2]  }
0x4: {  	s3 =	rddreg [dreg:$0x3]  }
0x5: {  	s4 =	rddreg [dreg:$0x4];
	s5 =	srdreg.scid  }
0x6: {  	s6 =	simm.s32 $0x0;
	s10 =	stileid.u32;
	s19 =	simm.s32 $0x7  }
0x7: {  	s20 =	simm.s32 $0x7940;
	s28 =	simm.s32 $0x1;
	s29 =	simm.s32 $0x50  }
0x8: {  	s30 =	simm.s32 $0x78A0;
	s31 =	simm.s32 $0x2800;
	s9 =	smul.u32 $0x7D, s10  }
0x9: {  	s18 =	simm.s32 $0x78F0;
	s5 =	sand.u32 $0x1, s5;
	s22 =	smul.u32 $0x271000, s10  }
0xa: {  	[smem:$0x7FF] =	sst s6;
	s0 =	sadd.s32 $0x400, s0;
	s11 =	smul.u32 $0x4E20, s10  }
0xb: {  	s7 =	ssub.s32 $0x2, s5;
	_ =	strace $0x80000047;
	[dreg:$0x6] =	wrdreg s0  }
0xc: {  	s8 =	sshrl.u32 s7, $0x1;
	s23 =	sadd.s32 $0x7D, s9;
	s12 =	sshrl.u32 s9, $0x4  }
0xd: {  	s24 =	sshrl.u32 s11, $0x3;
	s13 =	sadd.s32 $0x50, s11;
	s14 =	sadd.s32 $0xA0, s11  }
0xe: {  	s21 =	ssub.s32 s7, s8;
	s8 =	sshll.u32 s5, $0x6;
	s10 =	sshrl.u32 s23, $0x4  }
0xf: {  	s9 =	smul.u32 $0xA000, s12;
	s7 =	sadd.s32 s2, s24;
	[dreg:$0x7] =	wrdreg s12  }
0x10: {  	s23 =	simm.s32 $0x80;
	s24 =	simm.s32 $0x7850;
	s5 =	sor.u32 s8, s22  }
0x11: {  	[dreg:$0x8] =	wrdreg s7;
	s0 =	smax.u32 s21, $0x1;
	s26 =	ssub.s32 s10, s12  }
0x12: {  	p0 =	sle.u32 s10, s12;
	s22 =	simm.s32 $0x40;
	s21 =	simm.s32 $0x5000  }
.Ltmp0:
0x13: {  	s12 =	simm.s32 $0xA140;
	[dreg:$0xa] =	wrdreg s0;
	(pc) =	sbr.rel .LBB2_1-.Ltmp0, $4  }
0x14: {  	s5 =	sshrl.u32 s5, $0x3;
	s25 =	sshrl.u32 s9, $0x2;
	[dreg:$0xb] =	wrdreg s26  }
0x15: {  	s26 =	simm.s32 $0x3;
	s9 =	simm.s32 $0x0;
	s5 =	sadd.s32 s1, s5  }
0x16: {  	s0 =	sadd.s32 s25, s4;
	s25 =	simm.s32 $0x1400;
	[dreg:$0x9] =	wrdreg s5  }
0x17: {  	v0 =	vimm.f32 $0.0e+00;
	[dreg:$0xc] =	wrdreg s0;
	s0 =	simm.s32 $0x4;
	s5 =	simm.s32 $0x2  }
.LBB2_17:
0x18: {  	s9 =	rddreg [dreg:$0xd]  }
0x19: {  	s7 =	rddreg [dreg:$0xa];
	s9 =	sadd.s32 $0x1, s9  }
0x1a: {  	p1 =	sne.s32 s9, s7  }
.Ltmp1:
0x1b: {  	_ = 	snop;
	(pc) =	sbr.rel @!p1 .LBB2_18-.Ltmp1, $1  }
0x1c: {  	_ =	sdelay $0x3  }
.LBB2_1:
0x1d: {  	[dreg:$0xd] =	wrdreg s9  }
0x1e: {  	s7 =	rddreg [dreg:$0x6];
	s17 =	simm.s32 $0xB540  }
0x1f: {  	[tilespmem:s17], [sflag:$0x7] =	stream.linear.gather [hbm4b:s7+s6], $0x10, $0x38;
	[tilespmem:$0x1EDD0] =	vst v63  }
0x20: {  	_ =	swait.ge [sflag:s19], $0x10  }
0x21: {  	[sflag:s19] =	ssyncset.done $0x0  }
0x22: {  	s7 =	simm.s32 $0x7A40;
	[sflag:s19] =	ssyncadd.s32 $0xFFFFFFF0  }
0x23: {  	v1 =	vld [tilespmem:$0xB540];
	[tilespmem:s7+$0xFFFFFF00] =	vst v0  }
0x24: {  	[tilespmem:s7+$0xF0] =	vst v0  }
0x25: {  	[tilespmem:s7+$0xE0] =	vst v0  }
0x26: {  	[tilespmem:s7+$0xD0] =	vst v0  }
0x27: {  	[tilespmem:s7+$0xC0] =	vst v0  }
0x28: {  	[tilespmem:s7+$0xB0] =	vst v0  }
0x29: {  	[tilespmem:s7+$0xA0] =	vst v0  }
0x2a: {  	[tilespmem:s7+$0x90] =	vst v0  }
0x2b: {  	[tilespmem:s7+$0x80] =	vst v0  }
0x2c: {  	[tilespmem:s7+$0x70] =	vst v0  }
0x2d: {  	[tilespmem:s7+$0x60] =	vst v0  }
0x2e: {  	[tilespmem:s7+$0x50] =	vst v0  }
0x2f: {  	[tilespmem:s7+$0x40] =	vst v0  }
0x30: {  	[tilespmem:s7+$0x30] =	vst v0  }
0x31: {  	[tilespmem:s7+$0x20] =	vst v0  }
0x32: {  	[tilespmem:s7+$0x10] =	vst v0  }
0x33: {  	[tilespmem:s7+$0x0] =	vst v0  }
0x34: {  	[tilespmem:s7+$0xFFFFFFF0] =	vst v0  }
0x35: {  	[tilespmem:s7+$0xFFFFFFE0] =	vst v0  }
0x36: {  	[tilespmem:s7+$0xFFFFFFD0] =	vst v0  }
0x37: {  	[tilespmem:s7+$0xFFFFFFC0] =	vst v0  }
0x38: {  	[tilespmem:s7+$0xFFFFFFB0] =	vst v0  }
0x39: {  	[tilespmem:s7+$0xFFFFFFA0] =	vst v0  }
0x3a: {  	[tilespmem:s7+$0xFFFFFF90] =	vst v0  }
0x3b: {  	[tilespmem:s7+$0xFFFFFF80] =	vst v0  }
0x3c: {  	[tilespmem:s7+$0xFFFFFF70] =	vst v0  }
0x3d: {  	[tilespmem:s7+$0xFFFFFF60] =	vst v0  }
0x3e: {  	[tilespmem:s7+$0xFFFFFF50] =	vst v0  }
0x3f: {  	[tilespmem:s7+$0xFFFFFF40] =	vst v0  }
0x40: {  	[tilespmem:s7+$0xFFFFFF30] =	vst v0  }
0x41: {  	s9 =	simm.s32 $0x0;
	[tilespmem:s7+$0xFFFFFF20] =	vst v0  }
.LBB2_2:
0x42: {  	s9 =	sadd.s32 $0x4, s9;
	[tilespmem:s7+$0xFFFFFF10] =	vst v0;
	s7 =	sadd.s32 $0x200, s7  }
0x43: {  	[tilespmem:s7+$0xFFFFFF00] =	vst v0;
	p1 =	slt.u32 s9, $0x4C  }
0x44: {  	[tilespmem:s7+$0xF0] =	vst v0  }
0x45: {  	[tilespmem:s7+$0xE0] =	vst v0  }
0x46: {  	[tilespmem:s7+$0xD0] =	vst v0  }
0x47: {  	[tilespmem:s7+$0xC0] =	vst v0  }
0x48: {  	[tilespmem:s7+$0xB0] =	vst v0  }
0x49: {  	[tilespmem:s7+$0xA0] =	vst v0  }
0x4a: {  	[tilespmem:s7+$0x90] =	vst v0  }
0x4b: {  	[tilespmem:s7+$0x80] =	vst v0  }
0x4c: {  	[tilespmem:s7+$0x70] =	vst v0  }
0x4d: {  	[tilespmem:s7+$0x60] =	vst v0  }
0x4e: {  	[tilespmem:s7+$0x50] =	vst v0  }
0x4f: {  	[tilespmem:s7+$0x40] =	vst v0  }
0x50: {  	[tilespmem:s7+$0x30] =	vst v0  }
0x51: {  	[tilespmem:s7+$0x20] =	vst v0  }
0x52: {  	[tilespmem:s7+$0x10] =	vst v0  }
0x53: {  	[tilespmem:s7+$0x0] =	vst v0  }
0x54: {  	[tilespmem:s7+$0xFFFFFFF0] =	vst v0  }
0x55: {  	[tilespmem:s7+$0xFFFFFFE0] =	vst v0  }
0x56: {  	[tilespmem:s7+$0xFFFFFFD0] =	vst v0  }
0x57: {  	[tilespmem:s7+$0xFFFFFFC0] =	vst v0  }
0x58: {  	[tilespmem:s7+$0xFFFFFFB0] =	vst v0  }
0x59: {  	[tilespmem:s7+$0xFFFFFFA0] =	vst v0  }
0x5a: {  	[tilespmem:s7+$0xFFFFFF90] =	vst v0  }
0x5b: {  	[tilespmem:s7+$0xFFFFFF80] =	vst v0  }
0x5c: {  	[tilespmem:s7+$0xFFFFFF70] =	vst v0  }
.Ltmp2:
0x5d: {  	[tilespmem:s7+$0xFFFFFF60] =	vst v0;
	(pc) =	sbr.rel @p1 .LBB2_2-.Ltmp2, $4  }
0x5e: {  	[tilespmem:s7+$0xFFFFFF50] =	vst v0  }
0x5f: {  	[tilespmem:s7+$0xFFFFFF40] =	vst v0  }
0x60: {  	[tilespmem:s7+$0xFFFFFF30] =	vst v0  }
0x61: {  	[tilespmem:s7+$0xFFFFFF20] =	vst v0  }
.Ltmp3:
0x62: {  	(pc) =	sbr.rel @p0 .LBB2_7-.Ltmp3, $2  }
0x63: {  	_ =	sdelay $0x2  }
0x64: {  	[tilespmem:s7+$0xFFFFFF10] =	vst v0  }
0x65: {  	s7 =	rddreg [dreg:$0xb]  }
0x66: {  	p1 =	sne.s32 s7, $0x1  }
.Ltmp4:
0x67: {  	_ = 	snop;
	(pc) =	sbr.rel @!p1 .LBB2_6-.Ltmp4, $4  }
0x68: {  	s9 =	rddreg [dreg:$0xc]  }
0x69: {  	[spmem:s9] =	stream.linear.scatter [tilespmem:s20], [sflag:$0x7], $0x2800, $0x38;
	[tilespmem:$0x1EDD0] =	vst v63  }
0x6a: {  	_ =	swait.ge [sflag:s19], $0x2800  }
0x6b: {  	s7 =	sadd.s32 $0xFFFFFFFF, s7;
	[sflag:s19] =	ssyncset.done $0x0  }
.LBB2_5:
0x6c: {  	p1 =	sne.s32 s7, $0x1;
	[sflag:s19] =	ssyncadd.s32 $0xFFFFD800;
	s9 =	sadd.s32 $0x2800, s9  }
.Ltmp5:
0x6d: {  	s7 =	sadd.s32 $0xFFFFFFFF, s7;
	(pc) =	sbr.rel @p1 .LBB2_5-.Ltmp5, $4  }
0x6e: {  	_ = 	snop  }
0x6f: {  	[spmem:s9] =	stream.linear.scatter [tilespmem:s20], [sflag:$0x7], $0x2800, $0x38;
	[tilespmem:$0x1EDD0] =	vst v63  }
0x70: {  	_ =	swait.ge [sflag:s19], $0x2800  }
0x71: {  	[sflag:s19] =	ssyncset.done $0x0  }
.LBB2_6:
0x72: {  	[sflag:s19] =	ssyncadd.s32 $0xFFFFD800  }
.LBB2_7:
0x73: {  	[bflag:$0x0] =	sbarrier.arrive $0xFFFF  }
0x74: {  	s16 =	simm.s32 $0x0;
	s9 =	simm.s32 $0x7800;
	s7 =	rddreg [dreg:$0x8]  }
0x75: {  	[tilespmem:s9], [sflag:$0x3] =	stream.linear.gather [hbm4b:s7+s16], $0x50, $0x38;
	[tilespmem:$0x1EDD0] =	vst v63  }
0x76: {  	s17 =	rddreg [dreg:$0x9]  }
0x77: {  	[tilespmem:s16], [sflag:$0x1] =	stream.strided.gather [hbm4b:s17+s22], $0x1400, s23, s22, $0x38;
	[tilespmem:$0x1EDD0] =	vst v63  }
.LBB2_8:
0x78: {  	s17 =	smul.u32 $0xA0, s16;
	_ =	sdelay $0x1  }
0x79: {  	s7 =	sadd.s32 s17, s13  }
0x7a: {  	s9 =	sshrl.u32 s7, $0x3;
	s7 =	sshll.u32 s7, $0x7  }
0x7b: {  	s9 =	sadd.s32 s2, s9;
	s7 =	sor.u32 s8, s7  }
0x7c: {  	[tilespmem:s24], [sflag:$0x4] =	stream.linear.gather [hbm4b:s9+s6], $0x50, $0x38;
	[tilespmem:$0x1EDD0] =	vst v63  }
0x7d: {  	s7 =	sshrl.u32 s7, $0x3  }
0x7e: {  	s7 =	sadd.s32 s1, s7  }
0x7f: {  	[tilespmem:s25], [sflag:$0x2] =	stream.strided.gather [hbm4b:s7+s22], $0x1400, s23, s22, $0x38;
	[tilespmem:$0x1EDD0] =	vst v63  }
0x80: {  	_ =	swait.ge [sflag:s26], $0x50  }
0x81: {  	[sflag:s26] =	ssyncset.done $0x0  }
0x82: {  	[sflag:s26] =	ssyncadd.s32 $0xFFFFFFB0  }
0x83: {  	_ =	swait.ge [sflag:s28], $0x1400  }
0x84: {  	p1 =	seq.s32 s16, $0x0;
	[sflag:s28] =	ssyncset.done $0x0  }
0x85: {  	s7 =	simm.s32 @!p1 $0x5;
	[sflag:s28] =	ssyncadd.s32 $0xFFFFEC00  }
0x86: {  	_ =	swait.ge @!p1 [sflag:s7], $0x2800  }
0x87: {  	[sflag:s7] =	ssyncset.done @!p1 $0x0  }
0x88: {  	s15 =	simm.s32 $0x80;
	[sflag:s7] =	ssyncadd.s32 @!p1 $0xFFFFD800  }
0x89: {  	v4 =	vld [tilespmem:s15+$0x70]  }
0x8a: {  	v5 =	vld [tilespmem:s15+$0xFFFFFF90]  }
0x8b: {  	v6 =	vld [tilespmem:s15+$0xFFFFFFA0]  }
0x8c: {  	v7 =	vld [tilespmem:s15+$0xFFFFFFB0]  }
0x8d: {  	v8 =	vld [tilespmem:s15+$0xFFFFFFC0]  }
0x8e: {  	v14 =	vld [tilespmem:s15+$0xFFFFFFE0]  }
0x8f: {  	v15 =	vld [tilespmem:s15+$0xFFFFFFF0]  }
0x90: {  	v21 =	vld [tilespmem:s15+$0x10]  }
0x91: {  	v13 =	vld [tilespmem:s15+$0xFFFFFF80]  }
0x92: {  	v22 =	vld [tilespmem:s15+$0x20]  }
0x93: {  	s11 =	simm.s32 $0x180;
	v23 =	vld [tilespmem:s15+$0x30];
	v2 =	vmul.f32 v4, v1  }
0x94: {  	v34 =	vld [tilespmem:s11+$0xFFFFFF80];
	v3 =	vmul.f32 v5, v1;
	v9 =	vmul.f32 v6, v1  }
0x95: {  	v11 =	vmul.f32 v7, v1;
	v12 =	vmul.f32 v8, v1  }
0x96: {  	v16 =	vmul.f32 v14, v1;
	v17 =	vmul.f32 v15, v1  }
0x97: {  	v24 =	vmul.f32 v21, v1;
	v19 =	vmul.f32 v13, v1  }
0x98: {  	v25 =	vmul.f32 v22, v1;
	v28 =	vmul.f32 v23, v1  }
0x99: {  	v10 =	vld [tilespmem:s15+$0xFFFFFFD0];
	v41 =	vmul.f32 v34, v1;
	v2 =	vmul.f32 $1.442695020e+00, v2  }
0x9a: {  	v3 =	vmul.f32 $1.442695020e+00, v3;
	v9 =	vmul.f32 $1.442695020e+00, v9  }
0x9b: {  	v18 =	vld [tilespmem:s15+$0x0];
	v11 =	vmul.f32 $1.442695020e+00, v11;
	v12 =	vmul.f32 $1.442695020e+00, v12  }
0x9c: {  	v16 =	vmul.f32 $1.442695020e+00, v16;
	v17 =	vmul.f32 $1.442695020e+00, v17  }
0x9d: {  	v27 =	vmul.f32 $1.442695020e+00, v19;
	v24 =	vmul.f32 $1.442695020e+00, v24  }
0x9e: {  	v19 =	vld [tilespmem:s15+$0x40];
	(erf) = vpow2.f32 v2;
	v2 =	vmul.f32 v10, v1  }
0x9f: {  	v25 =	vmul.f32 $1.442695020e+00, v25;
	(erf) = vpow2.f32 v3  }
0xa0: {  	v20 =	vmul.f32 $1.442695020e+00, v2;
	v2 =	vmul.f32 v18, v1  }
0xa1: {  	v41 =	vmul.f32 $1.442695020e+00, v41;
	v3 =	vld [tilespmem:s15+$0x60];
	(erf) = vpow2.f32 v27  }
0xa2: {  	(erf) = vpow2.f32 v9;
	v26 =	vmul.f32 $1.442695020e+00, v2;
	v2 =	vld [tilespmem:s15+$0x50]  }
0xa3: {  	(erf) = vpow2.f32 v11;
	v11 =	vmul.f32 v19, v1  }
0xa4: {  	v9 =	vmul.f32 $1.442695020e+00, v28;
	(erf) = vpow2.f32 v12  }
0xa5: {  	(erf) = vpow2.f32 v20;
	v11 =	vmul.f32 $1.442695020e+00, v11  }
0xa6: {  	(erf) = vpow2.f32 v16;
	v16 =	vmul.f32 v3, v1  }
0xa7: {  	(erf) = vpow2.f32 v17;
	v12 =	vmul.f32 v2, v1  }
0xa8: {  	s9 =	simm.s32 $0x2900;
	v27 =	vpop (erf);
	v16 =	vmul.f32 $1.442695020e+00, v16;
	(erf) = vpow2.f32 v26  }
0xa9: {  	v4 =	vmul.f32 v27, v4;
	v17 =	vpop (erf);
	(erf) = vpow2.f32 v24;
	[tilespmem:s9+$0xF0] =	vst v27  }
0xaa: {  	v26 =	vld [tilespmem:s11+$0xFFFFFF90];
	v12 =	vmul.f32 $1.442695020e+00, v12;
	v20 =	vpop (erf);
	(erf) = vpow2.f32 v25;
	[tilespmem:s9+$0xFFFFFF50] =	vst v17  }
0xab: {  	v25 =	vld [tilespmem:s11+$0x70];
	[tilespmem:s9+$0xB0] =	vst v4;
	v4 =	vmul.f32 v17, v5;
	v5 =	vmul.f32 v20, v13;
	v24 =	vpop (erf)  }
0xac: {  	(erf) = vpow2.f32 v9;
	v13 =	vld [tilespmem:s11+$0xFFFFFFD0];
	[tilespmem:s9+$0xFFFFFF40] =	vst v20;
	v6 =	vmul.f32 v24, v6;
	v17 =	vpop (erf)  }
0xad: {  	v9 =	vld [tilespmem:s11+$0xFFFFFFA0];
	(erf) = vpow2.f32 v11;
	[tilespmem:s9+$0xFFFFFF10] =	vst v4;
	v4 =	vmul.f32 v17, v7;
	v27 =	vpop (erf)  }
0xae: {  	[tilespmem:s9+$0xFFFFFF00] =	vst v5;
	(erf) = vpow2.f32 v12;
	v5 =	vmul.f32 v27, v8;
	v60 =	vpop (erf)  }
0xaf: {  	v11 =	vld [tilespmem:s11+$0xFFFFFFB0];
	[tilespmem:s9+$0xFFFFFF20] =	vst v6;
	(erf) = vpow2.f32 v16;
	v6 =	vmul.f32 v60, v10;
	v16 =	vpop (erf)  }
0xb0: {  	v12 =	vld [tilespmem:s11+$0xFFFFFFC0];
	[tilespmem:s9+$0xFFFFFF30] =	vst v4;
	v4 =	vmul.f32 v25, v1;
	v7 =	vmul.f32 v16, v14  }
0xb1: {  	v14 =	vpop (erf);
	[tilespmem:s9+$0xFFFFFF80] =	vst v5;
	v5 =	vmul.f32 v26, v1;
	v31 =	vmul.f32 v13, v1  }
0xb2: {  	v8 =	vld [tilespmem:s11+$0xFFFFFFE0];
	v15 =	vmul.f32 v14, v15;
	[tilespmem:s9+$0xFFFFFF90] =	vst v6;
	v6 =	vmul.f32 v9, v1  }
0xb3: {  	[tilespmem:s9+$0xFFFFFF60] =	vst v24;
	v29 =	vmul.f32 $1.442695020e+00, v4;
	v30 =	vmul.f32 $1.442695020e+00, v5  }
0xb4: {  	v32 =	vpop (erf);
	[tilespmem:s9+$0xFFFFFFA0] =	vst v7;
	v7 =	vmul.f32 v11, v1;
	v31 =	vmul.f32 $1.442695020e+00, v31  }
0xb5: {  	v10 =	vld [tilespmem:s11+$0xFFFFFFF0];
	v63 =	vmul.f32 v32, v18;
	[tilespmem:s9+$0xFFFFFFB0] =	vst v15;
	v15 =	vmul.f32 v12, v1  }
0xb6: {  	[tilespmem:s9+$0xFFFFFF70] =	vst v17;
	v4 =	vld [tilespmem:s11+$0x0];
	v24 =	vpop (erf);
	(erf) = vpow2.f32 v29;
	v61 =	vmul.f32 $1.442695020e+00, v6  }
0xb7: {  	[tilespmem:s9+$0xFFFFFFF0] =	vst v14;
	v14 =	vld [tilespmem:s11+$0x40];
	v20 =	vmul.f32 v8, v1;
	v21 =	vmul.f32 v24, v21  }
0xb8: {  	[tilespmem:s9+$0xFFFFFFC0] =	vst v27;
	v5 =	vld [tilespmem:s11+$0x10];
	v36 =	vpop (erf);
	v33 =	vmul.f32 $1.442695020e+00, v7;
	(erf) = vpow2.f32 v30  }
0xb9: {  	[tilespmem:s9+$0xFFFFFFD0] =	vst v60;
	v7 =	vld [tilespmem:s11+$0x30];
	v22 =	vmul.f32 v36, v22;
	v35 =	vmul.f32 $1.442695020e+00, v15  }
0xba: {  	[tilespmem:s9+$0xFFFFFFE0] =	vst v16;
	v27 =	vpop (erf);
	v15 =	vmul.f32 v10, v1;
	v37 =	vmul.f32 $1.442695020e+00, v20  }
0xbb: {  	(erf) = vpow2.f32 v41;
	[tilespmem:s9+$0x10] =	vst v21;
	v21 =	vmul.f32 v27, v23  }
0xbc: {  	[tilespmem:s9+$0x40] =	vst v32;
	v18 =	vld [tilespmem:s11+$0x60];
	v17 =	vmul.f32 v4, v1;
	(erf) = vpow2.f32 v61  }
0xbd: {  	v6 =	vld [tilespmem:s11+$0x20];
	[tilespmem:s9+$0x50] =	vst v24;
	v23 =	vmul.f32 v14, v1;
	v20 =	vmul.f32 v5, v1  }
0xbe: {  	[tilespmem:s9+$0x60] =	vst v36;
	v62 =	vpop (erf);
	v40 =	vmul.f32 $1.442695020e+00, v17;
	v17 =	vmul.f32 v7, v1  }
0xbf: {  	[tilespmem:s9+$0x70] =	vst v27;
	v27 =	vmul.f32 v62, v19;
	v38 =	vmul.f32 $1.442695020e+00, v15  }
0xc0: {  	[tilespmem:s9+$0x0] =	vst v63;
	v15 =	vpop (erf);
	v42 =	vmul.f32 $1.442695020e+00, v20;
	v20 =	vmul.f32 $1.442695020e+00, v17;
	v17 =	vld [tilespmem:s11+$0x50]  }
0xc1: {  	[tilespmem:s9+$0x30] =	vst v21;
	v21 =	vmul.f32 v18, v1;
	v16 =	vpop (erf);
	(erf) = vpow2.f32 v33  }
0xc2: {  	[tilespmem:s9+$0x20] =	vst v22;
	v39 =	vmul.f32 v6, v1;
	v43 =	vpop (erf);
	(erf) = vpow2.f32 v35  }
0xc3: {  	[tilespmem:s9+$0xC0] =	vst v62;
	v25 =	vmul.f32 v43, v25;
	(erf) = vpow2.f32 v31  }
0xc4: {  	s7 =	simm.s32 $0x2B00;
	[tilespmem:s9+$0x80] =	vst v27;
	v39 =	vmul.f32 $1.442695020e+00, v39;
	(erf) = vpow2.f32 v37  }
0xc5: {  	[tilespmem:s7+$0xB0] =	vst v25;
	v25 =	vmul.f32 $1.442695020e+00, v23;
	v22 =	vmul.f32 v17, v1  }
0xc6: {  	[tilespmem:s9+$0xD0] =	vst v15;
	v23 =	vmul.f32 $1.442695020e+00, v21;
	(erf) = vpow2.f32 v38;
	v21 =	vpop (erf)  }
0xc7: {  	(erf) = vpow2.f32 v40;
	[tilespmem:s7+$0xFFFFFF50] =	vst v21;
	v19 =	vmul.f32 v21, v26;
	v21 =	vpop (erf)  }
0xc8: {  	[tilespmem:s9+$0xE0] =	vst v16;
	(erf) = vpow2.f32 v42;
	v26 =	vmul.f32 v21, v34  }
0xc9: {  	s15 =	simm.s32 $0x280;
	s11 =	simm.s32 $0x4;
	[tilespmem:s7+$0xF0] =	vst v43;
	v24 =	vmul.f32 $1.442695020e+00, v22;
	v22 =	vpop (erf);
	(erf) = vpow2.f32 v39  }
.LBB2_9:
0xca: {  	v27 =	vld [tilespmem:s15+$0x70];
	s11 =	sadd.s32 $0x4, s11;
	[tilespmem:s7+$0xFFFFFF10] =	vst v19;
	v30 =	vmul.f32 v22, v9;
	v29 =	vpop (erf);
	(erf) = vpow2.f32 v20  }
0xcb: {  	v19 =	vld [tilespmem:s15+$0xFFFFFF90];
	p2 =	slt.u32 s11, $0x4C;
	[tilespmem:s7+$0xFFFFFF00] =	vst v26;
	v20 =	vmul.f32 v29, v11;
	v26 =	vpop (erf);
	(erf) = vpow2.f32 v25  }
0xcc: {  	v9 =	vld [tilespmem:s15+$0xFFFFFFA0];
	[tilespmem:s7+$0xFFFFFF20] =	vst v30;
	v25 =	vmul.f32 v26, v12;
	v28 =	vpop (erf);
	(erf) = vpow2.f32 v24  }
0xcd: {  	v11 =	vld [tilespmem:s15+$0xFFFFFFB0];
	[tilespmem:s7+$0xFFFFFF30] =	vst v20;
	v20 =	vmul.f32 v28, v13;
	(erf) = vpow2.f32 v23  }
0xce: {  	v15 =	vmul.f32 v15, v2;
	v16 =	vmul.f32 v16, v3;
	v2 =	vmov v17;
	v12 =	vld [tilespmem:s15+$0xFFFFFFC0];
	[tilespmem:s7+$0xFFFFFF80] =	vst v25;
	v23 =	vpop (erf)  }
0xcf: {  	v3 =	vmov v18;
	v13 =	vld [tilespmem:s15+$0xFFFFFFD0];
	v17 =	vmul.f32 v27, v1;
	[tilespmem:s7+$0xFFFFFF90] =	vst v20;
	v20 =	vmul.f32 v23, v8;
	v24 =	vpop (erf)  }
0xd0: {  	v18 =	vmul.f32 v19, v1;
	v8 =	vld [tilespmem:s15+$0xFFFFFFE0];
	v33 =	vmul.f32 v24, v10;
	v30 =	vpop (erf);
	[tilespmem:s9+$0x90] =	vst v15  }
0xd1: {  	v15 =	vmul.f32 v9, v1;
	v10 =	vld [tilespmem:s15+$0xFFFFFFF0];
	v17 =	vmul.f32 $1.442695020e+00, v17;
	[tilespmem:s7+$0xFFFFFFA0] =	vst v20;
	v31 =	vpop (erf)  }
0xd2: {  	v18 =	vmul.f32 $1.442695020e+00, v18;
	v20 =	vmul.f32 v11, v1;
	v32 =	vld [tilespmem:s15+$0x0];
	[tilespmem:s7+$0xFFFFFFB0] =	vst v33;
	v25 =	vpop (erf)  }
0xd3: {  	v33 =	vmul.f32 v12, v1;
	v34 =	vld [tilespmem:s15+$0x10];
	(erf) = vpow2.f32 v17;
	v35 =	vpop (erf);
	[tilespmem:s9+$0xA0] =	vst v16;
	s9 =	smov.u32 s7  }
0xd4: {  	v36 =	vmul.f32 $1.442695020e+00, v15;
	v17 =	vmul.f32 v13, v1;
	v37 =	vld [tilespmem:s15+$0x20];
	[tilespmem:s7+$0xFFFFFF40] =	vst v21;
	v21 =	vpop (erf)  }
0xd5: {  	v38 =	vmul.f32 $1.442695020e+00, v20;
	v20 =	vmul.f32 v8, v1;
	v39 =	vld [tilespmem:s15+$0x30];
	[tilespmem:s7+$0xFFFFFF60] =	vst v22;
	v15 =	vpop (erf)  }
0xd6: {  	v33 =	vmul.f32 $1.442695020e+00, v33;
	v22 =	vld [tilespmem:s15+$0xFFFFFF80];
	v40 =	vmul.f32 v10, v1;
	[tilespmem:s7+$0xFFFFFF70] =	vst v29;
	v16 =	vpop (erf)  }
0xd7: {  	v29 =	vmul.f32 $1.442695020e+00, v17;
	v17 =	vmul.f32 v32, v1;
	[tilespmem:s7+$0xFFFFFFC0] =	vst v26  }
0xd8: {  	v26 =	vmul.f32 $1.442695020e+00, v20;
	v20 =	vmul.f32 v34, v1;
	[tilespmem:s7+$0xFFFFFFD0] =	vst v28  }
0xd9: {  	v28 =	vmul.f32 $1.442695020e+00, v40;
	v40 =	vmul.f32 v37, v1;
	[tilespmem:s7+$0xFFFFFFE0] =	vst v23  }
0xda: {  	v41 =	vmul.f32 $1.442695020e+00, v17;
	v17 =	vmul.f32 v39, v1;
	[tilespmem:s7+$0xFFFFFFF0] =	vst v24  }
0xdb: {  	v42 =	vmul.f32 $1.442695020e+00, v20;
	v23 =	vmul.f32 v22, v1;
	[tilespmem:s7+$0x40] =	vst v30  }
0xdc: {  	v40 =	vmul.f32 $1.442695020e+00, v40;
	v20 =	vmul.f32 $1.442695020e+00, v17;
	v43 =	vpop (erf);
	[tilespmem:s7+$0x50] =	vst v31  }
0xdd: {  	v23 =	vmul.f32 $1.442695020e+00, v23;
	v44 =	vld [tilespmem:s15+$0x40];
	v24 =	vmul.f32 v43, v27;
	[tilespmem:s7+$0x60] =	vst v25  }
0xde: {  	v27 =	vmul.f32 v30, v4;
	s7 =	sadd.s32 $0x200, s7;
	v4 =	vmov v32;
	v17 =	vld [tilespmem:s15+$0x50];
	(erf) = vpow2.f32 v18;
	[tilespmem:s9+$0x70] =	vst v35  }
0xdf: {  	v18 =	vld [tilespmem:s15+$0x60];
	[tilespmem:s7+$0xB0] =	vst v24;
	(erf) = vpow2.f32 v23;
	v23 =	vmul.f32 v31, v5;
	v5 =	vmov v34  }
0xe0: {  	v24 =	vmul.f32 v25, v6;
	v6 =	vmov v37;
	(erf) = vpow2.f32 v36;
	[tilespmem:s9+$0x0] =	vst v27  }
0xe1: {  	(erf) = vpow2.f32 v38;
	[tilespmem:s9+$0x10] =	vst v23;
	v23 =	vmul.f32 v35, v7;
	v7 =	vmov v39  }
0xe2: {  	v25 =	vmul.f32 v44, v1;
	(erf) = vpow2.f32 v33;
	[tilespmem:s9+$0x20] =	vst v24  }
0xe3: {  	v24 =	vmul.f32 v17, v1;
	(erf) = vpow2.f32 v29;
	[tilespmem:s9+$0x30] =	vst v23  }
0xe4: {  	v25 =	vmul.f32 $1.442695020e+00, v25;
	v23 =	vmul.f32 v18, v1;
	[tilespmem:s9+$0xC0] =	vst v21  }
.Ltmp6:
0xe5: {  	v24 =	vmul.f32 $1.442695020e+00, v24;
	(erf) = vpow2.f32 v26;
	[tilespmem:s9+$0xD0] =	vst v15;
	(pc) =	sbr.rel @p2 .LBB2_9-.Ltmp6, $4  }
0xe6: {  	v23 =	vmul.f32 $1.442695020e+00, v23;
	(erf) = vpow2.f32 v28;
	[tilespmem:s9+$0xE0] =	vst v16  }
0xe7: {  	v27 =	vmul.f32 v21, v14;
	v14 =	vmov v44;
	[tilespmem:s7+$0xF0] =	vst v43;
	v26 =	vpop (erf);
	(erf) = vpow2.f32 v41  }
0xe8: {  	[tilespmem:s7+$0xFFFFFF50] =	vst v26;
	v19 =	vmul.f32 v26, v19;
	v21 =	vpop (erf);
	(erf) = vpow2.f32 v42  }
0xe9: {  	s15 =	sadd.s32 $0x100, s15;
	v26 =	vmul.f32 v21, v22;
	v22 =	vpop (erf);
	(erf) = vpow2.f32 v40;
	[tilespmem:s9+$0x80] =	vst v27  }
0xea: {  	[tilespmem:s7+$0xFFFFFF10] =	vst v19  }
0xeb: {  	[tilespmem:s7+$0xFFFFFF40] =	vst v21  }
0xec: {  	[tilespmem:s7+$0xFFFFFF60] =	vst v22  }
0xed: {  	v9 =	vmul.f32 v22, v9;
	v19 =	vpop (erf);
	[tilespmem:s7+$0xFFFFFF00] =	vst v26  }
0xee: {  	v2 =	vmul.f32 v15, v2;
	[tilespmem:s7+$0xFFFFFF70] =	vst v19  }
0xef: {  	[tilespmem:s7+$0xFFFFFF20] =	vst v9  }
0xf0: {  	v11 =	vmul.f32 v19, v11;
	v26 =	vpop (erf);
	[tilespmem:s9+$0x90] =	vst v2  }
0xf1: {  	[tilespmem:s7+$0xFFFFFFC0] =	vst v26  }
0xf2: {  	v9 =	vmul.f32 v26, v12;
	v12 =	vpop (erf);
	[tilespmem:s7+$0xFFFFFF30] =	vst v11  }
0xf3: {  	v2 =	vmul.f32 v16, v3;
	v11 =	vmul.f32 v12, v13;
	[tilespmem:s7+$0xFFFFFFD0] =	vst v12  }
0xf4: {  	[tilespmem:s7+$0xFFFFFF80] =	vst v9  }
0xf5: {  	(erf) = vpow2.f32 v20;
	[tilespmem:s9+$0xA0] =	vst v2  }
0xf6: {  	[tilespmem:s7+$0xFFFFFF90] =	vst v11;
	v9 =	vpop (erf)  }
0xf7: {  	v8 =	vmul.f32 v9, v8;
	v11 =	vpop (erf);
	[tilespmem:s7+$0xFFFFFFE0] =	vst v9  }
0xf8: {  	[tilespmem:s7+$0xFFFFFFF0] =	vst v11  }
0xf9: {  	(erf) = vpow2.f32 v25;
	v10 =	vmul.f32 v11, v10;
	v2 =	vpop (erf);
	[tilespmem:s7+$0xFFFFFFA0] =	vst v8  }
0xfa: {  	(erf) = vpow2.f32 v24;
	[tilespmem:s7+$0x40] =	vst v2  }
0xfb: {  	(erf) = vpow2.f32 v23;
	v3 =	vpop (erf);
	v2 =	vmul.f32 v2, v4;
	[tilespmem:s7+$0xFFFFFFB0] =	vst v10  }
0xfc: {  	[tilespmem:s7+$0x50] =	vst v3  }
0xfd: {  	v3 =	vmul.f32 v3, v5;
	v8 =	vpop (erf);
	[tilespmem:s7+$0x0] =	vst v2  }
0xfe: {  	v9 =	vpop (erf);
	[tilespmem:s7+$0x60] =	vst v8;
	v2 =	vmul.f32 v8, v6  }
0xff: {  	[tilespmem:s7+$0x10] =	vst v3;
	v3 =	vmul.f32 v9, v7  }
0x100: {  	[tilespmem:s7+$0x70] =	vst v9  }
0x101: {  	[tilespmem:s7+$0x20] =	vst v2  }
0x102: {  	[tilespmem:s7+$0x30] =	vst v3;
	v2 =	vpop (erf)  }
0x103: {  	v3 =	vpop (erf);
	[tilespmem:s7+$0xC0] =	vst v2  }
0x104: {  	v2 =	vmul.f32 v2, v14;
	v4 =	vpop (erf);
	[tilespmem:s7+$0xD0] =	vst v3  }
0x105: {  	v3 =	vmul.f32 v3, v17;
	[tilespmem:s7+$0xE0] =	vst v4  }
0x106: {  	[tilespmem:s7+$0x80] =	vst v2;
	v2 =	vmul.f32 v4, v18  }
0x107: {  	[tilespmem:s7+$0x90] =	vst v3  }
0x108: {  	[tilespmem:s7+$0xA0] =	vst v2  }
0x109: {  	v2 =	vld [tilespmem:$0x7800]  }
0x10a: {  	v3 =	vld [tilespmem:$0x7810]  }
0x10b: {  	v4 =	vld [tilespmem:$0x7820]  }
0x10c: {  	v5 =	vld [tilespmem:$0x7830]  }
0x10d: {  	v6 =	vld [tilespmem:$0x7840]  }
0x10e: {  	[tilespmem:$0x78A0] =	vst v2  }
0x10f: {  	p2 =	seq.s32 s16, $0x7C;
	[tilespmem:$0x78B0] =	vst v3  }
0x110: {  	s7 =	sadd.s32 @!p2 s17, s14;
	[tilespmem:$0x78C0] =	vst v4  }
0x111: {  	s9 =	sshrl.u32 @!p2 s7, $0x3;
	s7 =	sshll.u32 @!p2 s7, $0x7;
	[tilespmem:$0x78D0] =	vst v5  }
0x112: {  	s11 =	simm.s32 @!p2 $0x0;
	s7 =	sor.u32 @!p2 s8, s7;
	[tilespmem:$0x78E0] =	vst v6  }
0x113: {  	[spmem:s4] =	stream.indirect.scatter.add.f32 [tilespmem:s31], [sflag:$0x5], $0x80, s30, s29, $0xb8;
	[tilespmem:$0x1EDD0] =	vst v63  }
0x114: {  	s15 =	simm.s32 @!p2 $0x7800;
	s9 =	sadd.s32 @!p2 s2, s9;
	s7 =	sshrl.u32 @!p2 s7, $0x3  }
0x115: {  	[tilespmem:s15], [sflag:$0x3] =	stream.linear.gather @!p2 [hbm4b:s9+s11], $0x50, $0x38;
	[tilespmem:$0x1EDD0] =	vst v63  }
0x116: {  	s7 =	sadd.s32 @!p2 s1, s7;
	s9 =	simm.s32 @!p2 $0x40;
	s15 =	simm.s32 @!p2 $0x80  }
0x117: {  	[tilespmem:s11], [sflag:$0x1] =	stream.strided.gather @!p2 [hbm4b:s7+s9], $0x1400, s15, s9, $0x38;
	[tilespmem:$0x1EDD0] =	vst v63  }
0x118: {  	_ =	swait.ge [sflag:s0], $0x50  }
0x119: {  	[sflag:s0] =	ssyncset.done $0x0  }
0x11a: {  	[sflag:s0] =	ssyncadd.s32 $0xFFFFFFB0  }
0x11b: {  	_ =	swait.ge [sflag:s5], $0x1400  }
0x11c: {  	[sflag:s5] =	ssyncset.done $0x0  }
0x11d: {  	s7 =	simm.s32 @!p1 $0x6;
	[sflag:s5] =	ssyncadd.s32 $0xFFFFEC00  }
0x11e: {  	_ =	swait.ge @!p1 [sflag:s7], $0x2800  }
0x11f: {  	[sflag:s7] =	ssyncset.done @!p1 $0x0  }
0x120: {  	s15 =	simm.s32 $0x1480;
	[sflag:s7] =	ssyncadd.s32 @!p1 $0xFFFFD800  }
0x121: {  	v4 =	vld [tilespmem:s15+$0x70]  }
0x122: {  	v5 =	vld [tilespmem:s15+$0xFFFFFF90]  }
0x123: {  	v6 =	vld [tilespmem:s15+$0xFFFFFFA0]  }
0x124: {  	v7 =	vld [tilespmem:s15+$0xFFFFFFB0]  }
0x125: {  	v8 =	vld [tilespmem:s15+$0xFFFFFFC0]  }
0x126: {  	v14 =	vld [tilespmem:s15+$0xFFFFFFE0]  }
0x127: {  	v15 =	vld [tilespmem:s15+$0xFFFFFFF0]  }
0x128: {  	v21 =	vld [tilespmem:s15+$0x10]  }
0x129: {  	v13 =	vld [tilespmem:s15+$0xFFFFFF80]  }
0x12a: {  	v22 =	vld [tilespmem:s15+$0x20]  }
0x12b: {  	s17 =	simm.s32 $0x1580;
	v23 =	vld [tilespmem:s15+$0x30];
	v2 =	vmul.f32 v4, v1  }
0x12c: {  	v34 =	vld [tilespmem:s17+$0xFFFFFF80];
	v3 =	vmul.f32 v5, v1;
	v9 =	vmul.f32 v6, v1  }
0x12d: {  	v11 =	vmul.f32 v7, v1;
	v12 =	vmul.f32 v8, v1  }
0x12e: {  	v16 =	vmul.f32 v14, v1;
	v17 =	vmul.f32 v15, v1  }
0x12f: {  	v24 =	vmul.f32 v21, v1;
	v19 =	vmul.f32 v13, v1  }
0x130: {  	v25 =	vmul.f32 v22, v1;
	v28 =	vmul.f32 v23, v1  }
0x131: {  	v10 =	vld [tilespmem:s15+$0xFFFFFFD0];
	v41 =	vmul.f32 v34, v1;
	v2 =	vmul.f32 $1.442695020e+00, v2  }
0x132: {  	v3 =	vmul.f32 $1.442695020e+00, v3;
	v9 =	vmul.f32 $1.442695020e+00, v9  }
0x133: {  	v18 =	vld [tilespmem:s15+$0x0];
	v11 =	vmul.f32 $1.442695020e+00, v11;
	v12 =	vmul.f32 $1.442695020e+00, v12  }
0x134: {  	v16 =	vmul.f32 $1.442695020e+00, v16;
	v17 =	vmul.f32 $1.442695020e+00, v17  }
0x135: {  	v27 =	vmul.f32 $1.442695020e+00, v19;
	v24 =	vmul.f32 $1.442695020e+00, v24  }
0x136: {  	v19 =	vld [tilespmem:s15+$0x40];
	(erf) = vpow2.f32 v2;
	v2 =	vmul.f32 v10, v1  }
0x137: {  	v25 =	vmul.f32 $1.442695020e+00, v25;
	(erf) = vpow2.f32 v3  }
0x138: {  	v20 =	vmul.f32 $1.442695020e+00, v2;
	v2 =	vmul.f32 v18, v1  }
0x139: {  	v41 =	vmul.f32 $1.442695020e+00, v41;
	v3 =	vld [tilespmem:s15+$0x60];
	(erf) = vpow2.f32 v27  }
0x13a: {  	(erf) = vpow2.f32 v9;
	v26 =	vmul.f32 $1.442695020e+00, v2;
	v2 =	vld [tilespmem:s15+$0x50]  }
0x13b: {  	(erf) = vpow2.f32 v11;
	v11 =	vmul.f32 v19, v1  }
0x13c: {  	v9 =	vmul.f32 $1.442695020e+00, v28;
	(erf) = vpow2.f32 v12  }
0x13d: {  	(erf) = vpow2.f32 v20;
	v11 =	vmul.f32 $1.442695020e+00, v11  }
0x13e: {  	(erf) = vpow2.f32 v16;
	v16 =	vmul.f32 v3, v1  }
0x13f: {  	(erf) = vpow2.f32 v17;
	v27 =	vpop (erf);
	v12 =	vmul.f32 v2, v1  }
0x140: {  	s9 =	simm.s32 $0x5100;
	v16 =	vmul.f32 $1.442695020e+00, v16;
	v4 =	vmul.f32 v27, v4  }
0x141: {  	v17 =	vpop (erf);
	(erf) = vpow2.f32 v26;
	[tilespmem:s9+$0xF0] =	vst v27;
	v12 =	vmul.f32 $1.442695020e+00, v12  }
0x142: {  	v26 =	vld [tilespmem:s17+$0xFFFFFF90];
	v20 =	vpop (erf);
	(erf) = vpow2.f32 v24;
	[tilespmem:s9+$0xB0] =	vst v4;
	v4 =	vmul.f32 v17, v5  }
0x143: {  	[tilespmem:s9+$0xFFFFFF50] =	vst v17;
	v5 =	vmul.f32 v20, v13;
	v24 =	vpop (erf);
	(erf) = vpow2.f32 v25;
	v25 =	vld [tilespmem:s17+$0x70]  }
0x144: {  	v13 =	vld [tilespmem:s17+$0xFFFFFFD0];
	[tilespmem:s9+$0xFFFFFF40] =	vst v20;
	v6 =	vmul.f32 v24, v6;
	v17 =	vpop (erf);
	(erf) = vpow2.f32 v9  }
0x145: {  	v9 =	vld [tilespmem:s17+$0xFFFFFFA0];
	[tilespmem:s9+$0xFFFFFF10] =	vst v4;
	v4 =	vmul.f32 v17, v7;
	v27 =	vpop (erf);
	(erf) = vpow2.f32 v11  }
0x146: {  	[tilespmem:s9+$0xFFFFFF00] =	vst v5;
	v5 =	vmul.f32 v27, v8;
	v60 =	vpop (erf);
	(erf) = vpow2.f32 v12  }
0x147: {  	v11 =	vld [tilespmem:s17+$0xFFFFFFB0];
	[tilespmem:s9+$0xFFFFFF20] =	vst v6;
	v6 =	vmul.f32 v60, v10;
	(erf) = vpow2.f32 v16;
	v16 =	vpop (erf)  }
0x148: {  	v12 =	vld [tilespmem:s17+$0xFFFFFFC0];
	[tilespmem:s9+$0xFFFFFF30] =	vst v4;
	v4 =	vmul.f32 v25, v1;
	v7 =	vmul.f32 v16, v14  }
0x149: {  	v8 =	vld [tilespmem:s17+$0xFFFFFFE0];
	v14 =	vpop (erf);
	[tilespmem:s9+$0xFFFFFF80] =	vst v5;
	v5 =	vmul.f32 v26, v1;
	v31 =	vmul.f32 v13, v1  }
0x14a: {  	v15 =	vmul.f32 v14, v15;
	[tilespmem:s9+$0xFFFFFF90] =	vst v6;
	v6 =	vmul.f32 v9, v1  }
0x14b: {  	[tilespmem:s9+$0xFFFFFF60] =	vst v24;
	v29 =	vmul.f32 $1.442695020e+00, v4;
	v30 =	vmul.f32 $1.442695020e+00, v5  }
0x14c: {  	v10 =	vld [tilespmem:s17+$0xFFFFFFF0];
	[tilespmem:s9+$0xFFFFFFA0] =	vst v7;
	v7 =	vmul.f32 v11, v1;
	v31 =	vmul.f32 $1.442695020e+00, v31  }
0x14d: {  	v32 =	vpop (erf);
	[tilespmem:s9+$0xFFFFFFB0] =	vst v15;
	v15 =	vmul.f32 v12, v1;
	v61 =	vmul.f32 $1.442695020e+00, v6  }
0x14e: {  	[tilespmem:s9+$0xFFFFFFF0] =	vst v14;
	v14 =	vld [tilespmem:s17+$0x40];
	v20 =	vmul.f32 v8, v1;
	v63 =	vmul.f32 v32, v18  }
0x14f: {  	[tilespmem:s9+$0xFFFFFF70] =	vst v17;
	v4 =	vld [tilespmem:s17+$0x0];
	v24 =	vpop (erf);
	(erf) = vpow2.f32 v29;
	v33 =	vmul.f32 $1.442695020e+00, v7  }
0x150: {  	[tilespmem:s9+$0xFFFFFFC0] =	vst v27;
	v5 =	vld [tilespmem:s17+$0x10];
	v21 =	vmul.f32 v24, v21;
	v35 =	vmul.f32 $1.442695020e+00, v15  }
0x151: {  	[tilespmem:s9+$0xFFFFFFD0] =	vst v60;
	v7 =	vld [tilespmem:s17+$0x30];
	v36 =	vpop (erf);
	v15 =	vmul.f32 v10, v1;
	v37 =	vmul.f32 $1.442695020e+00, v20  }
0x152: {  	[tilespmem:s9+$0xFFFFFFE0] =	vst v16;
	v27 =	vpop (erf);
	(erf) = vpow2.f32 v30;
	v22 =	vmul.f32 v36, v22  }
0x153: {  	(erf) = vpow2.f32 v41;
	[tilespmem:s9+$0x10] =	vst v21;
	v21 =	vmul.f32 v27, v23  }
0x154: {  	v6 =	vld [tilespmem:s17+$0x20];
	[tilespmem:s9+$0x40] =	vst v32;
	v23 =	vmul.f32 v14, v1;
	v17 =	vmul.f32 v4, v1  }
0x155: {  	v18 =	vld [tilespmem:s17+$0x60];
	[tilespmem:s9+$0x50] =	vst v24;
	v20 =	vmul.f32 v5, v1;
	v38 =	vmul.f32 $1.442695020e+00, v15  }
0x156: {  	[tilespmem:s9+$0x60] =	vst v36;
	v62 =	vpop (erf);
	v40 =	vmul.f32 $1.442695020e+00, v17;
	v17 =	vmul.f32 v7, v1  }
0x157: {  	[tilespmem:s9+$0x70] =	vst v27;
	(erf) = vpow2.f32 v61;
	v27 =	vmul.f32 v62, v19  }
0x158: {  	[tilespmem:s9+$0x0] =	vst v63;
	v15 =	vpop (erf);
	v42 =	vmul.f32 $1.442695020e+00, v20;
	v20 =	vmul.f32 $1.442695020e+00, v17;
	v17 =	vld [tilespmem:s17+$0x50]  }
0x159: {  	[tilespmem:s9+$0x20] =	vst v22;
	v39 =	vmul.f32 v6, v1;
	v16 =	vpop (erf);
	(erf) = vpow2.f32 v33  }
0x15a: {  	[tilespmem:s9+$0x30] =	vst v21;
	v21 =	vmul.f32 v18, v1;
	v43 =	vpop (erf);
	(erf) = vpow2.f32 v35  }
0x15b: {  	[tilespmem:s9+$0xC0] =	vst v62;
	v25 =	vmul.f32 v43, v25;
	(erf) = vpow2.f32 v31  }
0x15c: {  	s7 =	simm.s32 $0x5300;
	[tilespmem:s9+$0x80] =	vst v27;
	v39 =	vmul.f32 $1.442695020e+00, v39;
	(erf) = vpow2.f32 v37  }
0x15d: {  	[tilespmem:s7+$0xB0] =	vst v25;
	v22 =	vmul.f32 v17, v1;
	v25 =	vmul.f32 $1.442695020e+00, v23  }
0x15e: {  	[tilespmem:s9+$0xD0] =	vst v15;
	v23 =	vmul.f32 $1.442695020e+00, v21;
	(erf) = vpow2.f32 v38;
	v21 =	vpop (erf)  }
0x15f: {  	[tilespmem:s9+$0xE0] =	vst v16;
	(erf) = vpow2.f32 v40;
	v19 =	vmul.f32 v21, v26  }
0x160: {  	[tilespmem:s7+$0xFFFFFF50] =	vst v21;
	v21 =	vpop (erf);
	v24 =	vmul.f32 $1.442695020e+00, v22;
	(erf) = vpow2.f32 v42  }
0x161: {  	s11 =	simm.s32 $0x4;
	s15 =	simm.s32 $0x1680;
	[tilespmem:s7+$0xF0] =	vst v43;
	v26 =	vmul.f32 v21, v34;
	v22 =	vpop (erf);
	(erf) = vpow2.f32 v39  }
.LBB2_11:
0x162: {  	v27 =	vld [tilespmem:s15+$0x70];
	s11 =	sadd.s32 $0x4, s11;
	[tilespmem:s7+$0xFFFFFF10] =	vst v19;
	v30 =	vmul.f32 v22, v9;
	v29 =	vpop (erf);
	(erf) = vpow2.f32 v20  }
0x163: {  	v19 =	vld [tilespmem:s15+$0xFFFFFF90];
	p1 =	slt.u32 s11, $0x4C;
	[tilespmem:s7+$0xFFFFFF00] =	vst v26;
	v20 =	vmul.f32 v29, v11;
	v26 =	vpop (erf);
	(erf) = vpow2.f32 v25  }
0x164: {  	v9 =	vld [tilespmem:s15+$0xFFFFFFA0];
	[tilespmem:s7+$0xFFFFFF20] =	vst v30;
	v25 =	vmul.f32 v26, v12;
	v28 =	vpop (erf);
	(erf) = vpow2.f32 v24  }
0x165: {  	v11 =	vld [tilespmem:s15+$0xFFFFFFB0];
	[tilespmem:s7+$0xFFFFFF30] =	vst v20;
	v20 =	vmul.f32 v28, v13;
	(erf) = vpow2.f32 v23  }
0x166: {  	v15 =	vmul.f32 v15, v2;
	v16 =	vmul.f32 v16, v3;
	v2 =	vmov v17;
	v12 =	vld [tilespmem:s15+$0xFFFFFFC0];
	[tilespmem:s7+$0xFFFFFF80] =	vst v25;
	v23 =	vpop (erf)  }
0x167: {  	v3 =	vmov v18;
	v13 =	vld [tilespmem:s15+$0xFFFFFFD0];
	v17 =	vmul.f32 v27, v1;
	[tilespmem:s7+$0xFFFFFF90] =	vst v20;
	v20 =	vmul.f32 v23, v8;
	v24 =	vpop (erf)  }
0x168: {  	v18 =	vmul.f32 v19, v1;
	v8 =	vld [tilespmem:s15+$0xFFFFFFE0];
	v33 =	vmul.f32 v24, v10;
	v30 =	vpop (erf);
	[tilespmem:s9+$0x90] =	vst v15  }
0x169: {  	v15 =	vmul.f32 v9, v1;
	v10 =	vld [tilespmem:s15+$0xFFFFFFF0];
	v17 =	vmul.f32 $1.442695020e+00, v17;
	[tilespmem:s7+$0xFFFFFFA0] =	vst v20;
	v31 =	vpop (erf)  }
0x16a: {  	v18 =	vmul.f32 $1.442695020e+00, v18;
	v20 =	vmul.f32 v11, v1;
	v32 =	vld [tilespmem:s15+$0x0];
	[tilespmem:s7+$0xFFFFFFB0] =	vst v33;
	v25 =	vpop (erf)  }
0x16b: {  	v33 =	vmul.f32 v12, v1;
	v34 =	vld [tilespmem:s15+$0x10];
	(erf) = vpow2.f32 v17;
	v35 =	vpop (erf);
	[tilespmem:s9+$0xA0] =	vst v16;
	s9 =	smov.u32 s7  }
0x16c: {  	v36 =	vmul.f32 $1.442695020e+00, v15;
	v17 =	vmul.f32 v13, v1;
	v37 =	vld [tilespmem:s15+$0x20];
	[tilespmem:s7+$0xFFFFFF40] =	vst v21;
	v21 =	vpop (erf)  }
0x16d: {  	v38 =	vmul.f32 $1.442695020e+00, v20;
	v20 =	vmul.f32 v8, v1;
	v39 =	vld [tilespmem:s15+$0x30];
	[tilespmem:s7+$0xFFFFFF60] =	vst v22;
	v15 =	vpop (erf)  }
0x16e: {  	v33 =	vmul.f32 $1.442695020e+00, v33;
	v22 =	vld [tilespmem:s15+$0xFFFFFF80];
	v40 =	vmul.f32 v10, v1;
	[tilespmem:s7+$0xFFFFFF70] =	vst v29;
	v16 =	vpop (erf)  }
0x16f: {  	v29 =	vmul.f32 $1.442695020e+00, v17;
	v17 =	vmul.f32 v32, v1;
	[tilespmem:s7+$0xFFFFFFC0] =	vst v26  }
0x170: {  	v26 =	vmul.f32 $1.442695020e+00, v20;
	v20 =	vmul.f32 v34, v1;
	[tilespmem:s7+$0xFFFFFFD0] =	vst v28  }
0x171: {  	v28 =	vmul.f32 $1.442695020e+00, v40;
	v40 =	vmul.f32 v37, v1;
	[tilespmem:s7+$0xFFFFFFE0] =	vst v23  }
0x172: {  	v41 =	vmul.f32 $1.442695020e+00, v17;
	v17 =	vmul.f32 v39, v1;
	[tilespmem:s7+$0xFFFFFFF0] =	vst v24  }
0x173: {  	v42 =	vmul.f32 $1.442695020e+00, v20;
	v23 =	vmul.f32 v22, v1;
	[tilespmem:s7+$0x40] =	vst v30  }
0x174: {  	v40 =	vmul.f32 $1.442695020e+00, v40;
	v20 =	vmul.f32 $1.442695020e+00, v17;
	v43 =	vpop (erf);
	[tilespmem:s7+$0x50] =	vst v31  }
0x175: {  	v23 =	vmul.f32 $1.442695020e+00, v23;
	v44 =	vld [tilespmem:s15+$0x40];
	v24 =	vmul.f32 v43, v27;
	[tilespmem:s7+$0x60] =	vst v25  }
0x176: {  	v27 =	vmul.f32 v30, v4;
	s7 =	sadd.s32 $0x200, s7;
	v4 =	vmov v32;
	v17 =	vld [tilespmem:s15+$0x50];
	(erf) = vpow2.f32 v18;
	[tilespmem:s9+$0x70] =	vst v35  }
0x177: {  	v18 =	vld [tilespmem:s15+$0x60];
	[tilespmem:s7+$0xB0] =	vst v24;
	(erf) = vpow2.f32 v23;
	v23 =	vmul.f32 v31, v5;
	v5 =	vmov v34  }
0x178: {  	v24 =	vmul.f32 v25, v6;
	v6 =	vmov v37;
	(erf) = vpow2.f32 v36;
	[tilespmem:s9+$0x0] =	vst v27  }
0x179: {  	(erf) = vpow2.f32 v38;
	[tilespmem:s9+$0x10] =	vst v23;
	v23 =	vmul.f32 v35, v7;
	v7 =	vmov v39  }
0x17a: {  	v25 =	vmul.f32 v44, v1;
	(erf) = vpow2.f32 v33;
	[tilespmem:s9+$0x20] =	vst v24  }
0x17b: {  	v24 =	vmul.f32 v17, v1;
	(erf) = vpow2.f32 v29;
	[tilespmem:s9+$0x30] =	vst v23  }
0x17c: {  	v25 =	vmul.f32 $1.442695020e+00, v25;
	v23 =	vmul.f32 v18, v1;
	[tilespmem:s9+$0xC0] =	vst v21  }
.Ltmp7:
0x17d: {  	v24 =	vmul.f32 $1.442695020e+00, v24;
	(erf) = vpow2.f32 v26;
	[tilespmem:s9+$0xD0] =	vst v15;
	(pc) =	sbr.rel @p1 .LBB2_11-.Ltmp7, $4  }
0x17e: {  	v23 =	vmul.f32 $1.442695020e+00, v23;
	(erf) = vpow2.f32 v28;
	[tilespmem:s9+$0xE0] =	vst v16  }
0x17f: {  	v27 =	vmul.f32 v21, v14;
	v14 =	vmov v44;
	[tilespmem:s7+$0xF0] =	vst v43;
	v26 =	vpop (erf);
	(erf) = vpow2.f32 v41  }
0x180: {  	[tilespmem:s7+$0xFFFFFF50] =	vst v26;
	v19 =	vmul.f32 v26, v19;
	v21 =	vpop (erf);
	(erf) = vpow2.f32 v42  }
0x181: {  	s15 =	sadd.s32 $0x100, s15;
	v26 =	vmul.f32 v21, v22;
	v22 =	vpop (erf);
	(erf) = vpow2.f32 v40;
	[tilespmem:s9+$0x80] =	vst v27  }
0x182: {  	[tilespmem:s7+$0xFFFFFF10] =	vst v19  }
0x183: {  	[tilespmem:s7+$0xFFFFFF40] =	vst v21  }
0x184: {  	[tilespmem:s7+$0xFFFFFF60] =	vst v22  }
0x185: {  	v9 =	vmul.f32 v22, v9;
	v51 =	vpop (erf);
	[tilespmem:s7+$0xFFFFFF00] =	vst v26  }
0x186: {  	v2 =	vmul.f32 v15, v2;
	[tilespmem:s7+$0xFFFFFF70] =	vst v51  }
0x187: {  	[tilespmem:s7+$0xFFFFFF20] =	vst v9  }
0x188: {  	v11 =	vmul.f32 v51, v11;
	v52 =	vpop (erf);
	[tilespmem:s9+$0x90] =	vst v2  }
0x189: {  	[tilespmem:s7+$0xFFFFFFC0] =	vst v52  }
0x18a: {  	v53 =	vmul.f32 v52, v12;
	v54 =	vpop (erf);
	[tilespmem:s7+$0xFFFFFF30] =	vst v11  }
0x18b: {  	v2 =	vmul.f32 v16, v3;
	[tilespmem:s7+$0xFFFFFFD0] =	vst v54  }
0x18c: {  	v55 =	vmul.f32 v54, v13;
	[tilespmem:s7+$0xFFFFFF80] =	vst v53  }
0x18d: {  	v56 =	vpop (erf);
	[tilespmem:s9+$0xA0] =	vst v2  }
0x18e: {  	[tilespmem:s7+$0xFFFFFF90] =	vst v55;
	v57 =	vpop (erf);
	(erf) = vpow2.f32 v20  }
0x18f: {  	v8 =	vmul.f32 v56, v8;
	[tilespmem:s7+$0xFFFFFFE0] =	vst v56  }
0x190: {  	(erf) = vpow2.f32 v25;
	[tilespmem:s7+$0xFFFFFFF0] =	vst v57  }
0x191: {  	v10 =	vmul.f32 v57, v10;
	v2 =	vpop (erf);
	[tilespmem:s7+$0xFFFFFFA0] =	vst v8  }
0x192: {  	[tilespmem:s7+$0x40] =	vst v2  }
0x193: {  	(erf) = vpow2.f32 v24;
	v3 =	vpop (erf);
	v2 =	vmul.f32 v2, v4;
	[tilespmem:s7+$0xFFFFFFB0] =	vst v10  }
0x194: {  	(erf) = vpow2.f32 v23;
	v58 =	vpop (erf);
	[tilespmem:s7+$0x50] =	vst v3  }
0x195: {  	v3 =	vmul.f32 v3, v5;
	[tilespmem:s7+$0x0] =	vst v2;
	v2 =	vmul.f32 v58, v6  }
0x196: {  	[tilespmem:s7+$0x60] =	vst v58  }
0x197: {  	[tilespmem:s7+$0x10] =	vst v3;
	v59 =	vpop (erf)  }
0x198: {  	[tilespmem:s7+$0x20] =	vst v2;
	v3 =	vmul.f32 v59, v7  }
0x199: {  	[tilespmem:s7+$0x70] =	vst v59;
	v2 =	vpop (erf)  }
0x19a: {  	[tilespmem:s7+$0xC0] =	vst v2;
	v2 =	vmul.f32 v2, v14  }
0x19b: {  	[tilespmem:s7+$0x30] =	vst v3  }
0x19c: {  	[tilespmem:s7+$0x80] =	vst v2;
	v3 =	vpop (erf)  }
0x19d: {  	v60 =	vpop (erf);
	[tilespmem:s7+$0xD0] =	vst v3;
	v3 =	vmul.f32 v3, v17  }
0x19e: {  	[tilespmem:s7+$0xE0] =	vst v60;
	v2 =	vmul.f32 v60, v18  }
0x19f: {  	[tilespmem:s7+$0x90] =	vst v3  }
0x1a0: {  	[tilespmem:s7+$0xA0] =	vst v2  }
0x1a1: {  	v2 =	vld [tilespmem:$0x7850]  }
0x1a2: {  	v3 =	vld [tilespmem:$0x7860]  }
0x1a3: {  	v61 =	vld [tilespmem:$0x7870]  }
0x1a4: {  	v62 =	vld [tilespmem:$0x7880]  }
0x1a5: {  	s16 =	sadd.s32 $0x1, s16;
	v63 =	vld [tilespmem:$0x7890]  }
0x1a6: {  	p1 =	sne.s32 s16, $0x7D;
	[tilespmem:$0x78F0] =	vst v2  }
.Ltmp8:
0x1a7: {  	[tilespmem:$0x7900] =	vst v3;
	(pc) =	sbr.rel @p1 .LBB2_8-.Ltmp8, $4  }
0x1a8: {  	[tilespmem:$0x7910] =	vst v61  }
0x1a9: {  	[tilespmem:$0x7920] =	vst v62  }
0x1aa: {  	[tilespmem:$0x7930] =	vst v63  }
0x1ab: {  	[spmem:s4] =	stream.indirect.scatter.add.f32 [tilespmem:s21], [sflag:$0x6], $0x80, s18, s29, $0xb8;
	[tilespmem:$0x1EDD0] =	vst v63  }
0x1ac: {  	s7 =	simm.s32 $0x5  }
0x1ad: {  	_ =	swait.ge [sflag:s7], $0x2800  }
0x1ae: {  	[sflag:s7] =	ssyncset.done $0x0  }
0x1af: {  	s17 =	simm.s32 $0x6;
	[sflag:s7] =	ssyncadd.s32 $0xFFFFD800  }
.Ltmp9:
0x1b0: {  	_ =	swait.ge [sflag:s17], $0x2800;
	(pc) =	sbr.rel @p0 .LBB2_17-.Ltmp9, $4  }
0x1b1: {  	[sflag:s17] =	ssyncset.done $0x0  }
0x1b2: {  	[sflag:s17] =	ssyncadd.s32 $0xFFFFD800  }
0x1b3: {  	[bflag:$0x0] =	sbarrier.arrive $0xFFFF  }
0x1b4: {  	s16 =	rddreg [dreg:$0x7]  }
.LBB2_14:
0x1b5: {  	s17 =	smul.u32 $0x2800, s16;
	_ =	sdelay $0x1  }
0x1b6: {  	s7 =	sadd.s32 s17, s4  }
0x1b7: {  	[tilespmem:s20], [sflag:$0x7] =	stream.linear.gather [spmem:s7], $0x2800, $0x38;
	[tilespmem:$0x1EDD0] =	vst v63  }
0x1b8: {  	_ =	swait.ge [sflag:s19], $0x2800  }
0x1b9: {  	[sflag:s19] =	ssyncset.done $0x0  }
0x1ba: {  	s9 =	simm.s32 $0x7A40;
	[sflag:s19] =	ssyncadd.s32 $0xFFFFD800  }
0x1bb: {  	v1 =	vld [tilespmem:s9+$0xF0]  }
0x1bc: {  	v2 =	vld [tilespmem:s9+$0xFFFFFF40];
	_ =	sdelay $0x3  }
0x1bd: {  	v3 =	vld [tilespmem:s9+$0xFFFFFF50];
	(erf) = vrcp.f32 v1  }
0x1be: {  	v7 =	vimm.s32 $0x0;
	v4 =	vld [tilespmem:s9+$0xFFFFFF60];
	vm0 =	vlt.f32 v2, $0.0e+00  }
0x1bf: {  	v5 =	vld [tilespmem:s9+$0xFFFFFF70];
	v7 =	vsel vm0, $0xFFFFFFFF, v7  }
0x1c0: {  	v6 =	vld [tilespmem:s9+$0xFFFFFFC0];
	[tilespmem:$0x1FFC0] =	vst v7  }
0x1c1: {  	(erf) = vrcp.f32 v2;
	v7 =	vld [tilespmem:s9+$0xFFFFFFD0]  }
0x1c2: {  	vm2 =	vlt.f32 v3, $0.0e+00;
	vm7 =	vgt.f32 v3, $0.0e+00;
	(erf) = vrcp.f32 v3;
	v3 =	vld [tilespmem:s9+$0xB0]  }
0x1c3: {  	(erf) = vrcp.f32 v4  }
0x1c4: {  	(erf) = vrcp.f32 v5  }
0x1c5: {  	(erf) = vrcp.f32 v6  }
0x1c6: {  	vm5 =	vlt.f32 v7, $0.0e+00;
	vm11 =	vgt.f32 v7, $0.0e+00;
	(erf) = vrcp.f32 v7;
	v7 =	vpop (erf)  }
0x1c7: {  	vm12 =	vlt.f32 v1, $0.0e+00;
	vm13 =	vgt.f32 v1, $0.0e+00;
	v1 =	vmul.f32 v7, v3  }
0x1c8: {  	vm1 =	vgt.f32 v2, $0.0e+00;
	vm13 =	vmor vm13, vm12;
	v2 =	vld [tilespmem:s9+$0xFFFFFFE0]  }
0x1c9: {  	v11 =	vnsel vm13, $0x0, v1;
	v1 =	vld [tilespmem:$0x1FFC0]  }
0x1ca: {  	v8 =	vld [tilespmem:s9+$0xFFFFFFF0]  }
0x1cb: {  	vm3 =	vlt.f32 v4, $0.0e+00;
	vm8 =	vgt.f32 v4, $0.0e+00;
	vm9 =	vlt.f32 v5, $0.0e+00;
	v4 =	vld [tilespmem:s9+$0x40]  }
0x1cc: {  	vm15 =	vgt.f32 v5, $0.0e+00;
	vm4 =	vlt.f32 v6, $0.0e+00;
	vm10 =	vgt.f32 v6, $0.0e+00;
	v5 =	vld [tilespmem:s9+$0x50]  }
0x1cd: {  	vm2 =	vmor vm7, vm2;
	vm3 =	vmor vm8, vm3;
	vm9 =	vmor vm15, vm9  }
0x1ce: {  	vm4 =	vmor vm10, vm4;
	v12 =	vld [tilespmem:s9+$0x80];
	vm6 =	vlt.f32 v2, $0.0e+00;
	vm13 =	vnez.u8 v1  }
0x1cf: {  	v6 =	vld [tilespmem:s9+$0x60];
	(erf) = vrcp.f32 v2;
	v1 =	vimm.s32 $0x0;
	vm1 =	vmor vm1, vm13  }
0x1d0: {  	vm14 =	vgt.f32 v2, $0.0e+00;
	v2 =	vld [tilespmem:s9+$0xA0];
	(erf) = vrcp.f32 v8;
	v1 =	vsel vm1, $0xFFFFFFFF, v1  }
0x1d1: {  	vm7 =	vgt.f32 v4, $0.0e+00;
	vm8 =	vlt.f32 v5, $0.0e+00;
	v3 =	vld [tilespmem:s9+$0x90];
	(erf) = vrcp.f32 v4;
	[tilespmem:$0x1FFD0] =	vst v1  }
0x1d2: {  	(erf) = vrcp.f32 v5;
	vm1 =	vlt.f32 v4, $0.0e+00;
	v1 =	vimm.s32 $0x0;
	v7 =	vld [tilespmem:s9+$0xC0]  }
0x1d3: {  	v4 =	vld [tilespmem:s9+$0xD0];
	v1 =	vsel vm9, $0xFFFFFFFF, v1;
	vm9 =	vgt.f32 v5, $0.0e+00;
	v5 =	vimm.s32 $0x0  }
0x1d4: {  	vm12 =	vlt.f32 v8, $0.0e+00;
	vm0 =	vgt.f32 v8, $0.0e+00;
	v8 =	vld [tilespmem:s9+$0xE0];
	[tilespmem:$0x1FFE0] =	vst v1;
	v5 =	vsel vm4, $0xFFFFFFFF, v5  }
0x1d5: {  	vm15 =	vmor vm11, vm5;
	v13 =	vld [tilespmem:s9+$0x70];
	[tilespmem:$0x1FFF0] =	vst v5  }
0x1d6: {  	vm5 =	vgt.f32 v6, $0.0e+00;
	(erf) = vrcp.f32 v6;
	vm4 =	vlt.f32 v6, $0.0e+00;
	v6 =	vld [tilespmem:s9+$0xFFFFFF10]  }
0x1d7: {  	v1 =	vpop (erf);
	v10 =	vld [tilespmem:s9+$0xFFFFFF20]  }
0x1d8: {  	vm7 =	vmor vm7, vm1;
	vm8 =	vmor vm9, vm8;
	v15 =	vld [tilespmem:s9+$0xFFFFFF30];
	v5 =	vpop (erf)  }
0x1d9: {  	vm4 =	vmor vm5, vm4;
	v17 =	vld [tilespmem:s9+$0xFFFFFF80];
	v9 =	vpop (erf);
	(erf) = vrcp.f32 v7;
	vm1 =	vlt.f32 v4, $0.0e+00  }
0x1da: {  	v19 =	vld [tilespmem:s9+$0xFFFFFF90];
	v14 =	vpop (erf);
	(erf) = vrcp.f32 v4;
	vm9 =	vlt.f32 v13, $0.0e+00;
	vm5 =	vgt.f32 v13, $0.0e+00  }
0x1db: {  	s7 =	simm.s32 $0xA1C0;
	v16 =	vpop (erf);
	(erf) = vrcp.f32 v8;
	vm13 =	vmor vm5, vm9;
	vm9 =	vgt.f32 v4, $0.0e+00;
	v4 =	vld [tilespmem:s9+$0xFFFFFFA0]  }
0x1dc: {  	vm14 =	vmor vm14, vm6;
	vm6 =	vmor vm0, vm12;
	v18 =	vpop (erf);
	(erf) = vrcp.f32 v13;
	v13 =	vld [tilespmem:$0x1FFE0];
	[tilespmem:s7+$0x70] =	vst v11  }
0x1dd: {  	vm10 =	vlt.f32 v7, $0.0e+00;
	vm0 =	vgt.f32 v7, $0.0e+00;
	v6 =	vmul.f32 v5, v6;
	v20 =	vpop (erf);
	v11 =	vld [tilespmem:$0x1FFF0]  }
0x1de: {  	v22 =	vld [tilespmem:s9+$0xFFFFFFB0];
	vm10 =	vmor vm0, vm10;
	vm0 =	vlt.f32 v8, $0.0e+00;
	v23 =	vmul.f32 v9, v10;
	v21 =	vpop (erf)  }
0x1df: {  	vm5 =	vgt.f32 v8, $0.0e+00;
	v10 =	vld [tilespmem:s9+$0x0];
	v14 =	vmul.f32 v14, v15;
	v17 =	vmul.f32 v16, v17;
	v5 =	vpop (erf)  }
0x1e0: {  	v9 =	vld [tilespmem:s9+$0x10];
	vm11 =	vmor vm9, vm1;
	vm9 =	vmor vm5, vm0;
	v16 =	vmul.f32 v18, v19;
	v7 =	vpop (erf)  }
0x1e1: {  	v8 =	vld [tilespmem:s9+$0x20];
	v24 =	vnsel vm2, $0x0, v6;
	v15 =	vnsel vm3, $0x0, v23;
	v6 =	vpop (erf);
	vm0 =	vnez.u8 v13  }
0x1e2: {  	v13 =	vmul.f32 v20, v4;
	v4 =	vld [tilespmem:s9+$0xFFFFFF00];
	v14 =	vnsel vm0, $0x0, v14;
	v19 =	vpop (erf);
	vm0 =	vnez.u8 v11  }
0x1e3: {  	s11 =	simm.s32 $0x0;
	s15 =	simm.s32 $0x7C40;
	[tilespmem:s7+$0xFFFFFF90] =	vst v24;
	v11 =	vld [tilespmem:s9+$0x30];
	s9 =	simm.s32 $0xA1C0;
	v18 =	vnsel vm0, $0x0, v17;
	v17 =	vmul.f32 v21, v22;
	v12 =	vmul.f32 v19, v12;
	v19 =	vpop (erf)  }
.LBB2_15:
0x1e4: {  	[tilespmem:s7+$0xFFFFFFA0] =	vst v15;
	v15 =	vnsel vm15, $0x0, v16;
	v16 =	vld [tilespmem:$0x1FFD0];
	_ =	sdelay $0x4  }
0x1e5: {  	v20 =	vld [tilespmem:s15+$0xF0];
	v3 =	vmul.f32 v19, v3;
	v13 =	vnsel vm14, $0x0, v13;
	[tilespmem:s7+$0xFFFFFFC0] =	vst v18;
	vm0 =	vnez.u8 v16  }
0x1e6: {  	[tilespmem:s7+$0xFFFFFFE0] =	vst v13;
	v6 =	vmul.f32 v6, v8;
	v16 =	vimm.s32 $0x0;
	vm1 =	vmmov vm0  }
0x1e7: {  	[tilespmem:s7+$0xFFFFFFD0] =	vst v15;
	v5 =	vmul.f32 v5, v10;
	v16 =	vsel vm1, $0xFFFFFFFF, v16  }
0x1e8: {  	v3 =	vnsel vm11, $0x0, v3;
	v4 =	vmul.f32 v1, v4;
	v1 =	vnsel vm4, $0x0, v6;
	v6 =	vld [tilespmem:s15+$0xFFFFFFC0];
	[tilespmem:$0x1FF80] =	vst v16  }
0x1e9: {  	v15 =	vimm.s32 $0x0;
	v10 =	vpop (erf);
	v7 =	vmul.f32 v7, v9;
	v5 =	vnsel vm7, $0x0, v5;
	v16 =	vld [tilespmem:s15+$0xFFFFFF40];
	[tilespmem:s7+$0xFFFFFFB0] =	vst v14  }
0x1ea: {  	v2 =	vmul.f32 v10, v2;
	v9 =	vpop (erf);
	(erf) = vrcp.f32 v20;
	[tilespmem:s7+$0x0] =	vst v5;
	v14 =	vnsel vm6, $0x0, v17;
	v10 =	vld [tilespmem:s15+$0xFFFFFF50]  }
0x1eb: {  	v7 =	vnsel vm8, $0x0, v7;
	v9 =	vmul.f32 v9, v11;
	v11 =	vnsel vm10, $0x0, v12;
	v8 =	vld [tilespmem:s15+$0xFFFFFF60];
	[tilespmem:s7+$0xFFFFFFF0] =	vst v14  }
0x1ec: {  	vm4 =	vgt.f32 v20, $0.0e+00;
	v2 =	vnsel vm9, $0x0, v2;
	v5 =	vimm.s32 $0x0;
	[tilespmem:s7+$0x10] =	vst v7;
	v7 =	vld [tilespmem:s15+$0xFFFFFFF0]  }
0x1ed: {  	v9 =	vnsel vm13, $0x0, v9;
	v12 =	vld [tilespmem:s15+$0xFFFFFF70];
	vm14 =	vlt.f32 v6, $0.0e+00;
	vm6 =	vgt.f32 v6, $0.0e+00  }
0x1ee: {  	vm9 =	vlt.f32 v16, $0.0e+00;
	vm12 =	vgt.f32 v16, $0.0e+00;
	(erf) = vrcp.f32 v16  }
0x1ef: {  	[tilespmem:s7+$0x20] =	vst v1;
	v13 =	vld [tilespmem:s15+$0xFFFFFFD0];
	vm0 =	vlt.f32 v10, $0.0e+00;
	vm15 =	vgt.f32 v10, $0.0e+00;
	(erf) = vrcp.f32 v10  }
0x1f0: {  	v1 =	vld [tilespmem:s15+$0x40];
	[tilespmem:s7+$0x30] =	vst v9;
	vm13 =	vlt.f32 v8, $0.0e+00;
	vm10 =	vgt.f32 v8, $0.0e+00;
	v5 =	vsel vm0, $0xFFFFFFFF, v5  }
0x1f1: {  	(erf) = vrcp.f32 v8;
	v8 =	vld [tilespmem:s15+$0xB0];
	[tilespmem:s7+$0x60] =	vst v2;
	vm0 =	vlt.f32 v7, $0.0e+00;
	v2 =	vimm.s32 $0x0  }
0x1f2: {  	vm11 =	vlt.f32 v12, $0.0e+00;
	vm7 =	vgt.f32 v12, $0.0e+00;
	[tilespmem:$0x1FF10] =	vst v5;
	v5 =	vld [tilespmem:s15+$0xFFFFFFE0];
	v2 =	vsel vm0, $0xFFFFFFFF, v2  }
0x1f3: {  	(erf) = vrcp.f32 v12;
	vm0 =	vgt.f32 v7, $0.0e+00;
	[tilespmem:$0x1FF20] =	vst v2;
	v2 =	vimm.s32 $0x0  }
0x1f4: {  	[tilespmem:s7+$0x40] =	vst v11;
	vm5 =	vlt.f32 v13, $0.0e+00;
	(erf) = vrcp.f32 v6;
	v6 =	vld [tilespmem:s15+$0x50];
	v2 =	vsel vm0, $0xFFFFFFFF, v2  }
0x1f5: {  	vm3 =	vgt.f32 v13, $0.0e+00;
	vm0 =	vlt.f32 v1, $0.0e+00;
	[tilespmem:$0x1FF30] =	vst v2;
	v2 =	vimm.s32 $0x0  }
0x1f6: {  	[tilespmem:s7+$0x50] =	vst v3;
	(erf) = vrcp.f32 v13;
	v2 =	vsel vm0, $0xFFFFFFFF, v2;
	vm0 =	vgt.f32 v1, $0.0e+00  }
0x1f7: {  	v9 =	vld [tilespmem:s15+$0x60];
	vm2 =	vlt.f32 v5, $0.0e+00;
	(erf) = vrcp.f32 v5;
	[tilespmem:$0x1FF40] =	vst v2;
	v2 =	vimm.s32 $0x0  }
0x1f8: {  	v12 =	vld [tilespmem:s15+$0x80];
	vm1 =	vgt.f32 v5, $0.0e+00;
	(erf) = vrcp.f32 v7;
	v2 =	vsel vm0, $0xFFFFFFFF, v2  }
0x1f9: {  	v3 =	vld [tilespmem:s15+$0x90];
	vm8 =	vlt.f32 v6, $0.0e+00;
	v7 =	vimm.s32 $0x0;
	(erf) = vrcp.f32 v1;
	v1 =	vpop (erf)  }
0x1fa: {  	vm0 =	vlt.f32 v20, $0.0e+00;
	[tilespmem:$0x1FF50] =	vst v2;
	v2 =	vld [tilespmem:s15+$0xA0];
	v7 =	vsel vm8, $0xFFFFFFFF, v7;
	v5 =	vmul.f32 v1, v8;
	v1 =	vpop (erf)  }
0x1fb: {  	vm0 =	vmor vm4, vm0;
	vm4 =	vgt.f32 v6, $0.0e+00;
	[tilespmem:$0x1FF60] =	vst v7;
	v7 =	vld [tilespmem:s15+$0xC0];
	v8 =	vpop (erf);
	(erf) = vrcp.f32 v6  }
0x1fc: {  	v6 =	vld [tilespmem:s15+$0xD0];
	v5 =	vnsel vm0, $0x0, v5;
	v10 =	vpop (erf);
	(erf) = vrcp.f32 v9;
	vm0 =	vmor vm12, vm9  }
0x1fd: {  	s7 =	sadd.s32 $0x100, s7;
	vm9 =	vlt.f32 v9, $0.0e+00;
	v13 =	vsel vm0, $0xFFFFFFFF, v15;
	vm0 =	vgt.f32 v9, $0.0e+00;
	v9 =	vld [tilespmem:s15+$0xE0]  }
0x1fe: {  	[tilespmem:s7+$0x70] =	vst v5;
	v5 =	vld [tilespmem:$0x1FF10];
	_ =	sdelay $0x1  }
0x1ff: {  	v11 =	vpop (erf)  }
0x200: {  	v14 =	vpop (erf)  }
0x201: {  	vm7 =	vmor vm7, vm11;
	v16 =	vpop (erf)  }
0x202: {  	v18 =	vpop (erf);
	(erf) = vrcp.f32 v7;
	vm11 =	vlt.f32 v6, $0.0e+00;
	vm12 =	vnez.u8 v5  }
0x203: {  	v20 =	vpop (erf);
	(erf) = vrcp.f32 v6;
	v5 =	vimm.s32 $0x0;
	vm8 =	vmor vm15, vm12  }
0x204: {  	vm12 =	vmor vm3, vm5;
	vm5 =	vmor vm1, vm2;
	v5 =	vsel vm8, $0xFFFFFFFF, v5  }
0x205: {  	vm1 =	vgt.f32 v6, $0.0e+00;
	v6 =	vld [tilespmem:$0x1FF20];
	vm8 =	vmor vm10, vm13;
	[tilespmem:$0x1FF70] =	vst v5;
	v5 =	vimm.s32 $0x0  }
0x206: {  	v5 =	vsel vm8, $0xFFFFFFFF, v5  }
0x207: {  	[tilespmem:$0x1FF90] =	vst v5;
	v5 =	vimm.s32 $0x0  }
0x208: {  	v5 =	vsel vm7, $0xFFFFFFFF, v5  }
0x209: {  	vm6 =	vmor vm6, vm14;
	[tilespmem:$0x1FFA0] =	vst v5;
	v5 =	vimm.s32 $0x0  }
0x20a: {  	v5 =	vsel vm6, $0xFFFFFFFF, v5;
	vm6 =	vnez.u8 v6;
	v6 =	vld [tilespmem:$0x1FF30];
	_ =	sdelay $0x4  }
0x20b: {  	vm7 =	vnez.u8 v6;
	v6 =	vld [tilespmem:$0x1FF40];
	_ =	sdelay $0x4  }
0x20c: {  	vm6 =	vmor vm7, vm6;
	vm7 =	vnez.u8 v6;
	v6 =	vld [tilespmem:$0x1FF50]  }
0x20d: {  	v21 =	vld [tilespmem:s15+$0xFFFFFF80];
	_ =	sdelay $0x3  }
0x20e: {  	vm8 =	vnez.u8 v6;
	v6 =	vld [tilespmem:$0x1FF60]  }
0x20f: {  	v23 =	vmul.f32 v14, v21;
	v14 =	vld [tilespmem:$0x1FF70];
	_ =	sdelay $0x2  }
0x210: {  	v15 =	vld [tilespmem:s15+$0xFFFFFF10]  }
0x211: {  	vm7 =	vmor vm8, vm7;
	vm8 =	vnez.u8 v6  }
0x212: {  	vm8 =	vmor vm4, vm8;
	vm4 =	vmor vm0, vm9;
	vm0 =	vnez.u8 v14;
	v14 =	vld [tilespmem:$0x1FF80]  }
0x213: {  	[tilespmem:$0x1FFD0] =	vst v13;
	v13 =	vld [tilespmem:s15+$0x70];
	_ =	sdelay $0x1  }
0x214: {  	v17 =	vld [tilespmem:s15+$0xFFFFFF20];
	v8 =	vmul.f32 v8, v15  }
0x215: {  	v19 =	vld [tilespmem:s15+$0xFFFFFF30]  }
0x216: {  	[tilespmem:$0x1FFB0] =	vst v5;
	v5 =	vpop (erf);
	(erf) = vrcp.f32 v9;
	v62 =	vnsel vm0, $0x0, v8;
	vm0 =	vnez.u8 v14;
	v14 =	vld [tilespmem:$0x1FF90]  }
0x217: {  	vm15 =	vgt.f32 v13, $0.0e+00;
	vm13 =	vlt.f32 v13, $0.0e+00;
	(erf) = vrcp.f32 v13;
	v13 =	vld [tilespmem:s15+$0xFFFFFFA0]  }
0x218: {  	v22 =	vld [tilespmem:s15+$0xFFFFFF90];
	_ =	sdelay $0x1  }
0x219: {  	v15 =	vmul.f32 v10, v17;
	v17 =	vld [tilespmem:s15+$0xFFFFFFB0]  }
0x21a: {  	v4 =	vnsel vm0, $0x0, v4;
	vm0 =	vnez.u8 v14;
	v14 =	vld [tilespmem:$0x1FFA0]  }
0x21b: {  	s11 =	sadd.s32 $0x4, s11;
	v11 =	vmul.f32 v11, v19;
	v13 =	vmul.f32 v18, v13;
	v18 =	vld [tilespmem:$0x1FFB0]  }
0x21c: {  	p1 =	slt.u32 s11, $0x4C;
	v16 =	vmul.f32 v16, v22;
	vm14 =	vlt.f32 v9, $0.0e+00;
	vm2 =	vlt.f32 v7, $0.0e+00  }
.Ltmp10:
0x21d: {  	v10 =	vld [tilespmem:s15+$0x0];
	vm3 =	vgt.f32 v9, $0.0e+00;
	vm10 =	vgt.f32 v7, $0.0e+00;
	vm11 =	vmor vm1, vm11;
	(pc) =	sbr.rel @p1 .LBB2_15-.Ltmp10, $4  }
0x21e: {  	vm13 =	vmor vm15, vm13;
	vm15 =	vmmov vm12;
	vm10 =	vmor vm10, vm2;
	v9 =	vld [tilespmem:s15+$0x10];
	v7 =	vpop (erf)  }
0x21f: {  	v17 =	vmul.f32 v20, v17;
	v6 =	vpop (erf);
	v8 =	vld [tilespmem:s15+$0x20];
	[tilespmem:s9+$0xFFFFFF80] =	vst v4;
	v15 =	vnsel vm0, $0x0, v15;
	vm0 =	vnez.u8 v14  }
0x220: {  	vm9 =	vmor vm3, vm14;
	v63 =	vpop (erf);
	v4 =	vld [tilespmem:s15+$0xFFFFFF00];
	v14 =	vnsel vm0, $0x0, v11;
	vm0 =	vnez.u8 v18  }
0x221: {  	vm14 =	vmmov vm5;
	v12 =	vmul.f32 v63, v12;
	v19 =	vpop (erf);
	s9 =	smov.u32 s7;
	[tilespmem:s7+$0xFFFFFF90] =	vst v62;
	v11 =	vld [tilespmem:s15+$0x30];
	s15 =	sadd.s32 $0x200, s15;
	v18 =	vnsel vm0, $0x0, v23  }
0x222: {  	[tilespmem:s7+$0xFFFFFFA0] =	vst v15  }
0x223: {  	[tilespmem:s7+$0xFFFFFFB0] =	vst v14  }
0x224: {  	v54 =	vnsel vm15, $0x0, v16;
	[tilespmem:s7+$0xFFFFFFC0] =	vst v18  }
0x225: {  	v55 =	vnsel vm14, $0x0, v13;
	[tilespmem:s7+$0xFFFFFFD0] =	vst v54  }
0x226: {  	v5 =	vmul.f32 v5, v10;
	v57 =	vnsel vm6, $0x0, v17;
	[tilespmem:s7+$0xFFFFFFE0] =	vst v55  }
0x227: {  	v56 =	vpop (erf);
	v7 =	vmul.f32 v7, v9;
	[tilespmem:s7+$0xFFFFFFF0] =	vst v57;
	v62 =	vnsel vm10, $0x0, v12  }
0x228: {  	v58 =	vpop (erf);
	v5 =	vnsel vm7, $0x0, v5;
	v6 =	vmul.f32 v6, v8;
	[tilespmem:s7+$0x40] =	vst v62  }
0x229: {  	v7 =	vnsel vm8, $0x0, v7;
	[tilespmem:s7+$0x0] =	vst v5;
	v59 =	vmul.f32 v58, v11  }
0x22a: {  	v60 =	vnsel vm4, $0x0, v6;
	[tilespmem:s7+$0x10] =	vst v7  }
0x22b: {  	[tilespmem:s7+$0x20] =	vst v60;
	v61 =	vnsel vm13, $0x0, v59  }
0x22c: {  	[tilespmem:s7+$0x30] =	vst v61  }
0x22d: {  	v63 =	vld [tilespmem:$0x1FFD0];
	_ =	sdelay $0x2  }
0x22e: {  	v3 =	vmul.f32 v19, v3  }
0x22f: {  	v2 =	vmul.f32 v56, v2  }
0x230: {  	v3 =	vnsel vm11, $0x0, v3;
	v1 =	vmul.f32 v1, v4;
	vm0 =	vnez.u8 v63  }
0x231: {  	s11 =	sor.u32 s8, s17;
	v2 =	vnsel vm9, $0x0, v2;
	[tilespmem:s7+$0x50] =	vst v3;
	vm0 =	vmmov vm0  }
0x232: {  	s16 =	sadd.s32 $0x1, s16;
	s17 =	sshrl.u32 s11, $0x3;
	[tilespmem:s7+$0x60] =	vst v2;
	v1 =	vnsel vm0, $0x0, v1  }
0x233: {  	p1 =	sne.s32 s16, s10;
	s7 =	sadd.s32 s3, s17;
	[tilespmem:s9+$0xFFFFFF80] =	vst v1  }
0x234: {  	[hbm4b:s7+s22] =	stream.strided.scatter [tilespmem:s12], [sflag:$0x7], $0x1400, s23, s22, $0x38;
	[tilespmem:$0x1EDD0] =	vst v63  }
.Ltmp11:
0x235: {  	_ = 	snop;
	(pc) =	sbr.rel @p1 .LBB2_14-.Ltmp11, $4  }
.Ltmp12:
0x236: {  	_ = 	snop;
	(pc) =	sbr.rel @!p1 .LBB2_17-.Ltmp12, $4  }
0x237: {  	_ =	swait.ge [sflag:s19], $0x1400  }
0x238: {  	[sflag:s19] =	ssyncset.done $0x0  }
0x239: {  	[sflag:s19] =	ssyncadd.s32 $0xFFFFEC00  }
0x23a: {  	_ = 	snop  }
.LBB2_18:
0x23b: {  	_ =	sfence.sel $0x180000  }
0x23c: {  	[bflag:$0x0] =	sbarrier.arrive $0xFFFF  }
0x23d: {  	_ =	strace $0x90000047  }
0x23e: {  	s0 =	stileid.u32;
	[bflag:$0x2] =	sbarrier.arrive $0xFFFF  }
0x23f: {  	p0 =	sne.s32 s0, $0x0;
	s0 =	rddreg [dreg:$0x5]  }
0x240: {  	s0 =	sadd.s32 @!p0 $0x100000, s0  }
0x241: {  	[sflag:s0] =	ssyncadd.tile.s32 @!p0 $0x1;
	_ =	shalt  }
.Lfunc_end2:
_tile_overlayer_lowered:
.L_overlay_start_2:
0x242: {  	(tag) =	ssettag $0x2  }
0x243: {  	s0 =	rddreg [dreg:$0x0];
	s2 =	stileid.u32  }
0x244: {  	s1 =	rddreg [dreg:$0x1];
	p0 =	sne.s32 s2, $0x0  }
0x245: {  	s3 =	rddreg [dreg:$0x2];
	[bflag:$0x3] =	sbarrier.arrive $0xFFFF;
	s2 =	simm.s32 @!p0 $0x1C07  }
0x246: {  	[timem:s3], [sflag:s2] =	dma.local @!p0 [hbm:s0], s1  }
0x247: {  	s0 =	simm.s32 @!p0 $0x7  }
0x248: {  	_ =	swait.ge @!p0 [sflag:s0], s1  }
0x249: {  	s1 =	ssub.s32 @!p0 $0x0, s1;
	[sflag:s0] =	ssyncset.done @!p0 $0x0  }
0x24a: {  	[sflag:s0] =	ssyncadd.s32 @!p0 s1  }
0x24b: {  	[bflag:$0x3] =	sbarrier.arrive $0xFFFF  }
0x24c: {  	_ =	shalt  }

</sc_bundles>
